<compile_context>
chip_gen: v7x
topology: tpu7x:2x2x1
jax: 0.10.2.dev20260603
libtpu: 0.0.44.dev20260713+nightly
codegen_flags: <defaults>
</compile_context>

<pallas_src>
import functools
import jax
import jax.numpy as jnp
from jax import lax
from jax.experimental import pallas as pl
from jax.experimental.pallas import tpu as pltpu
from jax.experimental.pallas import tpu_sc as plsc

N_LABELS = 19
LB_POS = 0.9
LB_NEG = 0.005

_CS = 4096
_L = 16
_U = 8


def kernel(label):
    n, h, w = label.shape
    P = h * w
    S = n * P
    info = plsc.get_sparse_core_info()
    NC, NS = info.num_cores, info.num_subcores
    NW = NC * NS
    per_w = S // NW
    n_chunks = per_w // _CS
    mesh = plsc.VectorSubcoreMesh(core_axis_name="c", subcore_axis_name="s")

    @functools.partial(
        pl.kernel, mesh=mesh,
        out_type=jax.ShapeDtypeStruct((S * N_LABELS,), jnp.float32),
        scratch_types=[
            pltpu.VMEM((_CS,), jnp.int32),
            pltpu.VMEM((N_LABELS * _CS,), jnp.float32),
            pltpu.SemaphoreType.DMA,
        ],
        compiler_params=pltpu.CompilerParams(needs_layout_passes=False),
    )
    def sc_k(label_hbm, out_hbm, lab_v, tile_v, sem):
        wid = lax.axis_index("s") * NC + lax.axis_index("c")
        base = wid * per_w
        nb = base // P
        sp0 = base - nb * P
        pos_iota = jnp.arange(_L, dtype=jnp.int32)
        vpos = jnp.full((_L,), LB_POS, dtype=jnp.float32)
        vneg = jnp.full((_L,), LB_NEG, dtype=jnp.float32)

        def fill_body(k, _):
            for u in range(_U):
                tile_v[pl.ds((k * _U + u) * _L, _L)] = vneg
            return 0
        lax.fori_loop(0, (N_LABELS * _CS) // (_L * _U), fill_body, 0)

        def scatter_pass(val16):
            def body(i, _):
                for u in range(_U):
                    j = i * _U + u
                    lab16 = lab_v[pl.ds(j * _L, _L)]
                    idx = lab16 * _CS + (pos_iota + j * _L)
                    plsc.store_scatter(tile_v, [idx], val16)
                return 0
            lax.fori_loop(0, _CS // (_L * _U), body, 0)

        def chunk_body(ci, _):
            off = base + ci * _CS
            pltpu.sync_copy(label_hbm.at[pl.ds(off, _CS)], lab_v)
            scatter_pass(vpos)
            dst0 = (nb * N_LABELS) * P + sp0 + ci * _CS
            copies = [
                pltpu.async_copy(tile_v.at[pl.ds(c * _CS, _CS)],
                                 out_hbm.at[pl.ds(dst0 + c * P, _CS)], sem)
                for c in range(N_LABELS)
            ]
            for cp in copies:
                cp.wait()
            scatter_pass(vneg)
            return 0

        lax.fori_loop(0, n_chunks, chunk_body, 0)

    flat = sc_k(label.reshape(-1))
    return flat.reshape(n, N_LABELS, h, w)

# --- scband reference (transcript-rebuilt; emitter-appended) ---
"""Pipeline reference for scband-label-smooth-33483565040353 (READ-ONLY COPY).

The authoritative reference and input builder live on the scoring server;
editing this copy changes nothing except your own understanding.
"""

import jax, jax.numpy as jnp
import numpy as np

N_LABELS = 19
LB_POS = 0.9
LB_NEG = 0.005
LB_IGNORE = 255


def setup_inputs(seed: int = 0) -> dict:
    key = jax.random.key(seed)
    label = jax.random.randint(key, (8, 512, 512), 0, 19, dtype=jnp.int64 if jax.config.jax_enable_x64 else jnp.int32)
    return {"label": label}


def reference(label):
    # Faithful translation of LabelSmooth.forward
    # ignore mask
    ignore = (label == LB_IGNORE)                      # [N, *S] bool
    lab = jnp.where(ignore, 0, label)                  # label[ignore] = 0
    # one-hot scatter along channel dim 1: size [N, n_labels, *S]
    lb_one_hot = jax.nn.one_hot(lab, N_LABELS, axis=1, dtype=jnp.float32)
    out = LB_POS * lb_one_hot + LB_NEG * (1.0 - lb_one_hot)
    # zero out all class channels at ignored spatial positions
    out = jnp.where(jnp.expand_dims(ignore, 1), 0.0, out)
    return out

if __name__ == "__main__":
    import jax
    _d = setup_inputs()
    print(jax.jit(kernel)(*tuple(_d.values())))

</pallas_src>

<mosaic_0001>
#map = affine_map<(d0, d1) -> (0)>
module attributes {stable_mosaic.version = 14 : i64} {
  func.func @sc_k(%arg0: i32, %arg1: i32, %arg2: memref<2097152xi32, #tpu.memory_space<hbm>>, %arg3: memref<39845888xf32, #tpu.memory_space<hbm>>, %arg4: memref<4096xi32, #tpu.memory_space<vmem>>, %arg5: memref<77824xf32, #tpu.memory_space<vmem>>, %arg6: memref<!tpu.dma_semaphore, #tpu.memory_space<semaphore_mem>>) attributes {dimension_semantics = [#tpu.dimension_semantics<core_parallel>, #tpu.dimension_semantics<subcore_parallel>], iteration_bounds = array<i64: 2, 16>, scalar_prefetch = 0 : i64, scratch_operands = 3 : i64, tpu.core_type = #tpu.core_type<sc_vector_subcore>, window_params = [{transform_indices = #map}, {transform_indices = #map}]} {
    %mul3A = arith.constant 2 : i32
    %mul3A_0 = arith.muli %arg1, %mul3A : i32
    %add3A = arith.addi %mul3A_0, %arg0 : i32
    %mul3A_1 = arith.constant 65536 : i32
    %mul3A_2 = arith.muli %add3A, %mul3A_1 : i32
    %jit3A = arith.constant 262144 : i32
    %div3A = arith.divsi %mul3A_2, %jit3A : i32
    %sign3A = arith.constant 0 : i32
    %sign3A_3 = arith.cmpi sgt, %mul3A_2, %sign3A : i32
    %sign3A_4 = arith.extui %sign3A_3 : i1 to i32
    %sign3A_5 = arith.constant 0 : i32
    %sign3A_6 = arith.cmpi slt, %mul3A_2, %sign3A_5 : i32
    %sign3A_7 = arith.extui %sign3A_6 : i1 to i32
    %sign3A_8 = arith.subi %sign3A_4, %sign3A_7 : i32
    %sign3A_9 = arith.constant 0 : i32
    %sign3A_10 = arith.cmpi sgt, %jit3A, %sign3A_9 : i32
    %sign3A_11 = arith.extui %sign3A_10 : i1 to i32
    %sign3A_12 = arith.constant 0 : i32
    %sign3A_13 = arith.cmpi slt, %jit3A, %sign3A_12 : i32
    %sign3A_14 = arith.extui %sign3A_13 : i1 to i32
    %sign3A_15 = arith.subi %sign3A_11, %sign3A_14 : i32
    %ne3A = arith.cmpi ne, %sign3A_8, %sign3A_15 : i32
    %rem3A = arith.remsi %mul3A_2, %jit3A : i32
    %ne3A_16 = arith.constant 0 : i32
    %ne3A_17 = arith.cmpi ne, %rem3A, %ne3A_16 : i32
    %and3A = arith.andi %ne3A, %ne3A_17 : i1
    %sub3A = arith.constant 1 : i32
    %sub3A_18 = arith.subi %div3A, %sub3A : i32
    %select_n3A = arith.select %and3A, %sub3A_18, %div3A : i32
    %mul3A_19 = arith.constant 262144 : i32
    %mul3A_20 = arith.muli %select_n3A, %mul3A_19 : i32
    %sub3A_21 = arith.subi %mul3A_2, %mul3A_20 : i32
    %iota3A = tpu.iota {dimensions = array<i32: 0>} : vector<16xi32>
    %broadcast_in_dim3A = arith.constant 0.899999976 : f32
    %broadcast_in_dim3A_22 = vector.broadcast %broadcast_in_dim3A : f32 to vector<16xf32>
    %broadcast_in_dim3A_23 = arith.constant 5.000000e-03 : f32
    %broadcast_in_dim3A_24 = vector.broadcast %broadcast_in_dim3A_23 : f32 to vector<16xf32>
    %scan3A = arith.constant 0 : i32
    %scan3A_25 = arith.constant 0 : i32
    %scan3A_26 = arith.constant 608 : i32
    %scan3A_27 = arith.addi %scan3A_25, %scan3A_26 : i32
    %scan3A_28 = arith.constant 1 : i32
    %scan3A_29 = scf.for %scan3A_38 = %scan3A_25 to %scan3A_27 step %scan3A_28 iter_args(%scan3A_39 = %scan3A) -> (i32)  : i32 {
      %mul3A_40 = arith.constant 8 : i32
      %mul3A_41 = arith.muli %scan3A_38, %mul3A_40 : i32
      %add3A_42 = arith.constant 0 : i32
      %add3A_43 = arith.addi %mul3A_41, %add3A_42 : i32
      %mul3A_44 = arith.constant 16 : i32
      %mul3A_45 = arith.muli %add3A_43, %mul3A_44 : i32
      %swap3A = arith.index_cast %mul3A_45 : i32 to index
      %swap3A_46 = tpu.vector_load %arg5[%swap3A] {strides = array<i32>} : memref<77824xf32, #tpu.memory_space<vmem>>, vector<16xf32>,
      tpu.vector_store %arg5[%swap3A], %broadcast_in_dim3A_24 {strides = array<i32>} : memref<77824xf32, #tpu.memory_space<vmem>>, vector<16xf32>,
      %mul3A_47 = arith.constant 8 : i32
      %mul3A_48 = arith.muli %scan3A_38, %mul3A_47 : i32
      %add3A_49 = arith.constant 1 : i32
      %add3A_50 = arith.addi %mul3A_48, %add3A_49 : i32
      %mul3A_51 = arith.constant 16 : i32
      %mul3A_52 = arith.muli %add3A_50, %mul3A_51 : i32
      %swap3A_53 = arith.index_cast %mul3A_52 : i32 to index
      %swap3A_54 = tpu.vector_load %arg5[%swap3A_53] {strides = array<i32>} : memref<77824xf32, #tpu.memory_space<vmem>>, vector<16xf32>,
      tpu.vector_store %arg5[%swap3A_53], %broadcast_in_dim3A_24 {strides = array<i32>} : memref<77824xf32, #tpu.memory_space<vmem>>, vector<16xf32>,
      %mul3A_55 = arith.constant 8 : i32
      %mul3A_56 = arith.muli %scan3A_38, %mul3A_55 : i32
      %add3A_57 = arith.constant 2 : i32
      %add3A_58 = arith.addi %mul3A_56, %add3A_57 : i32
      %mul3A_59 = arith.constant 16 : i32
      %mul3A_60 = arith.muli %add3A_58, %mul3A_59 : i32
      %swap3A_61 = arith.index_cast %mul3A_60 : i32 to index
      %swap3A_62 = tpu.vector_load %arg5[%swap3A_61] {strides = array<i32>} : memref<77824xf32, #tpu.memory_space<vmem>>, vector<16xf32>,
      tpu.vector_store %arg5[%swap3A_61], %broadcast_in_dim3A_24 {strides = array<i32>} : memref<77824xf32, #tpu.memory_space<vmem>>, vector<16xf32>,
      %mul3A_63 = arith.constant 8 : i32
      %mul3A_64 = arith.muli %scan3A_38, %mul3A_63 : i32
      %add3A_65 = arith.constant 3 : i32
      %add3A_66 = arith.addi %mul3A_64, %add3A_65 : i32
      %mul3A_67 = arith.constant 16 : i32
      %mul3A_68 = arith.muli %add3A_66, %mul3A_67 : i32
      %swap3A_69 = arith.index_cast %mul3A_68 : i32 to index
      %swap3A_70 = tpu.vector_load %arg5[%swap3A_69] {strides = array<i32>} : memref<77824xf32, #tpu.memory_space<vmem>>, vector<16xf32>,
      tpu.vector_store %arg5[%swap3A_69], %broadcast_in_dim3A_24 {strides = array<i32>} : memref<77824xf32, #tpu.memory_space<vmem>>, vector<16xf32>,
      %mul3A_71 = arith.constant 8 : i32
      %mul3A_72 = arith.muli %scan3A_38, %mul3A_71 : i32
      %add3A_73 = arith.constant 4 : i32
      %add3A_74 = arith.addi %mul3A_72, %add3A_73 : i32
      %mul3A_75 = arith.constant 16 : i32
      %mul3A_76 = arith.muli %add3A_74, %mul3A_75 : i32
      %swap3A_77 = arith.index_cast %mul3A_76 : i32 to index
      %swap3A_78 = tpu.vector_load %arg5[%swap3A_77] {strides = array<i32>} : memref<77824xf32, #tpu.memory_space<vmem>>, vector<16xf32>,
      tpu.vector_store %arg5[%swap3A_77], %broadcast_in_dim3A_24 {strides = array<i32>} : memref<77824xf32, #tpu.memory_space<vmem>>, vector<16xf32>,
      %mul3A_79 = arith.constant 8 : i32
      %mul3A_80 = arith.muli %scan3A_38, %mul3A_79 : i32
      %add3A_81 = arith.constant 5 : i32
      %add3A_82 = arith.addi %mul3A_80, %add3A_81 : i32
      %mul3A_83 = arith.constant 16 : i32
      %mul3A_84 = arith.muli %add3A_82, %mul3A_83 : i32
      %swap3A_85 = arith.index_cast %mul3A_84 : i32 to index
      %swap3A_86 = tpu.vector_load %arg5[%swap3A_85] {strides = array<i32>} : memref<77824xf32, #tpu.memory_space<vmem>>, vector<16xf32>,
      tpu.vector_store %arg5[%swap3A_85], %broadcast_in_dim3A_24 {strides = array<i32>} : memref<77824xf32, #tpu.memory_space<vmem>>, vector<16xf32>,
      %mul3A_87 = arith.constant 8 : i32
      %mul3A_88 = arith.muli %scan3A_38, %mul3A_87 : i32
      %add3A_89 = arith.constant 6 : i32
      %add3A_90 = arith.addi %mul3A_88, %add3A_89 : i32
      %mul3A_91 = arith.constant 16 : i32
      %mul3A_92 = arith.muli %add3A_90, %mul3A_91 : i32
      %swap3A_93 = arith.index_cast %mul3A_92 : i32 to index
      %swap3A_94 = tpu.vector_load %arg5[%swap3A_93] {strides = array<i32>} : memref<77824xf32, #tpu.memory_space<vmem>>, vector<16xf32>,
      tpu.vector_store %arg5[%swap3A_93], %broadcast_in_dim3A_24 {strides = array<i32>} : memref<77824xf32, #tpu.memory_space<vmem>>, vector<16xf32>,
      %mul3A_95 = arith.constant 8 : i32
      %mul3A_96 = arith.muli %scan3A_38, %mul3A_95 : i32
      %add3A_97 = arith.constant 7 : i32
      %add3A_98 = arith.addi %mul3A_96, %add3A_97 : i32
      %mul3A_99 = arith.constant 16 : i32
      %mul3A_100 = arith.muli %add3A_98, %mul3A_99 : i32
      %swap3A_101 = arith.index_cast %mul3A_100 : i32 to index
      %swap3A_102 = tpu.vector_load %arg5[%swap3A_101] {strides = array<i32>} : memref<77824xf32, #tpu.memory_space<vmem>>, vector<16xf32>,
      tpu.vector_store %arg5[%swap3A_101], %broadcast_in_dim3A_24 {strides = array<i32>} : memref<77824xf32, #tpu.memory_space<vmem>>, vector<16xf32>,
      %scan3A_103 = arith.constant 0 : i32
      scf.yield %scan3A_103 : i32
    }
    %scan3A_30 = arith.constant 608 : i32
    %scan3A_31 = arith.constant 0 : i32
    %scan3A_32 = arith.constant 0 : i32
    %scan3A_33 = arith.constant 16 : i32
    %scan3A_34 = arith.addi %scan3A_32, %scan3A_33 : i32
    %scan3A_35 = arith.constant 1 : i32
    %scan3A_36 = scf.for %scan3A_38 = %scan3A_32 to %scan3A_34 step %scan3A_35 iter_args(%scan3A_39 = %scan3A_31) -> (i32)  : i32 {
      %mul3A_40 = arith.constant 4096 : i32
      %mul3A_41 = arith.muli %scan3A_38, %mul3A_40 : i32
      %add3A_42 = arith.addi %mul3A_2, %mul3A_41 : i32
      "tpu.region"() ({
        %run_scoped3A = tpu.sem_alloc : memref<!tpu.dma_semaphore, #tpu.memory_space<semaphore_mem>>
        %dma_start3A_330 = tpu.memref_slice %arg2[%add3A_42] : memref<2097152xi32, #tpu.memory_space<hbm>> -> memref<4096xi32, #tpu.memory_space<hbm>>
        %dma_start3A_331 = tpu.memref_slice %arg2[%add3A_42] : memref<2097152xi32, #tpu.memory_space<hbm>> -> memref<4096xi32, #tpu.memory_space<hbm>>
        tpu.enqueue_dma source(%dma_start3A_331 : memref<4096xi32, #tpu.memory_space<hbm>>) target(%arg4 : memref<4096xi32, #tpu.memory_space<vmem>>) target_semaphore(%run_scoped3A : memref<!tpu.dma_semaphore, #tpu.memory_space<semaphore_mem>>)
        %dma_wait3A_332 = tpu.memref_slice %arg2[%add3A_42] : memref<2097152xi32, #tpu.memory_space<hbm>> -> memref<4096xi32, #tpu.memory_space<hbm>>
        %dma_wait3A_333 = tpu.memref_slice %arg2[%add3A_42] : memref<2097152xi32, #tpu.memory_space<hbm>> -> memref<4096xi32, #tpu.memory_space<hbm>>
        tpu.wait_dma2 semaphore(%run_scoped3A : memref<!tpu.dma_semaphore, #tpu.memory_space<semaphore_mem>>) src(%dma_wait3A_333 : memref<4096xi32, #tpu.memory_space<hbm>>) dst(%arg4 : memref<4096xi32, #tpu.memory_space<vmem>>)
        tpu.yield
      }) : () -> ()
      %scan3A_43 = arith.constant 0 : i32
      %scan3A_44 = arith.constant 0 : i32
      %scan3A_45 = arith.constant 32 : i32
      %scan3A_46 = arith.addi %scan3A_44, %scan3A_45 : i32
      %scan3A_47 = arith.constant 1 : i32
      %scan3A_48 = scf.for %scan3A_330 = %scan3A_44 to %scan3A_46 step %scan3A_47 iter_args(%scan3A_331 = %scan3A_43) -> (i32)  : i32 {
        %mul3A_332 = arith.constant 8 : i32
        %mul3A_333 = arith.muli %scan3A_330, %mul3A_332 : i32
        %add3A_334 = arith.constant 0 : i32
        %add3A_335 = arith.addi %mul3A_333, %add3A_334 : i32
        %mul3A_336 = arith.constant 16 : i32
        %mul3A_337 = arith.muli %add3A_335, %mul3A_336 : i32
        %get3A = arith.index_cast %mul3A_337 : i32 to index
        %get3A_338 = tpu.vector_load %arg4[%get3A] {strides = array<i32>} : memref<4096xi32, #tpu.memory_space<vmem>>, vector<16xi32>,
        %mul3A_339 = arith.constant 4096 : i32
        %mul3A_340 = vector.broadcast %mul3A_339 : i32 to vector<16xi32>
        %mul3A_341 = arith.muli %get3A_338, %mul3A_340 : vector<16xi32>
        %mul3A_342 = arith.constant 16 : i32
        %mul3A_343 = arith.muli %add3A_335, %mul3A_342 : i32
        %add3A_344 = vector.broadcast %mul3A_343 : i32 to vector<16xi32>
        %add3A_345 = arith.addi %iota3A, %add3A_344 : vector<16xi32>
        %add3A_346 = arith.addi %mul3A_341, %add3A_345 : vector<16xi32>
        tpu.vector_store_idx %arg5[%add3A_346], %broadcast_in_dim3A_22 : memref<77824xf32, #tpu.memory_space<vmem>>[vector<16xi32>], vector<16xf32>,
        %mul3A_347 = arith.constant 8 : i32
        %mul3A_348 = arith.muli %scan3A_330, %mul3A_347 : i32
        %add3A_349 = arith.constant 1 : i32
        %add3A_350 = arith.addi %mul3A_348, %add3A_349 : i32
        %mul3A_351 = arith.constant 16 : i32
        %mul3A_352 = arith.muli %add3A_350, %mul3A_351 : i32
        %get3A_353 = arith.index_cast %mul3A_352 : i32 to index
        %get3A_354 = tpu.vector_load %arg4[%get3A_353] {strides = array<i32>} : memref<4096xi32, #tpu.memory_space<vmem>>, vector<16xi32>,
        %mul3A_355 = arith.constant 4096 : i32
        %mul3A_356 = vector.broadcast %mul3A_355 : i32 to vector<16xi32>
        %mul3A_357 = arith.muli %get3A_354, %mul3A_356 : vector<16xi32>
        %mul3A_358 = arith.constant 16 : i32
        %mul3A_359 = arith.muli %add3A_350, %mul3A_358 : i32
        %add3A_360 = vector.broadcast %mul3A_359 : i32 to vector<16xi32>
        %add3A_361 = arith.addi %iota3A, %add3A_360 : vector<16xi32>
        %add3A_362 = arith.addi %mul3A_357, %add3A_361 : vector<16xi32>
        tpu.vector_store_idx %arg5[%add3A_362], %broadcast_in_dim3A_22 : memref<77824xf32, #tpu.memory_space<vmem>>[vector<16xi32>], vector<16xf32>,
        %mul3A_363 = arith.constant 8 : i32
        %mul3A_364 = arith.muli %scan3A_330, %mul3A_363 : i32
        %add3A_365 = arith.constant 2 : i32
        %add3A_366 = arith.addi %mul3A_364, %add3A_365 : i32
        %mul3A_367 = arith.constant 16 : i32
        %mul3A_368 = arith.muli %add3A_366, %mul3A_367 : i32
        %get3A_369 = arith.index_cast %mul3A_368 : i32 to index
        %get3A_370 = tpu.vector_load %arg4[%get3A_369] {strides = array<i32>} : memref<4096xi32, #tpu.memory_space<vmem>>, vector<16xi32>,
        %mul3A_371 = arith.constant 4096 : i32
        %mul3A_372 = vector.broadcast %mul3A_371 : i32 to vector<16xi32>
        %mul3A_373 = arith.muli %get3A_370, %mul3A_372 : vector<16xi32>
        %mul3A_374 = arith.constant 16 : i32
        %mul3A_375 = arith.muli %add3A_366, %mul3A_374 : i32
        %add3A_376 = vector.broadcast %mul3A_375 : i32 to vector<16xi32>
        %add3A_377 = arith.addi %iota3A, %add3A_376 : vector<16xi32>
        %add3A_378 = arith.addi %mul3A_373, %add3A_377 : vector<16xi32>
        tpu.vector_store_idx %arg5[%add3A_378], %broadcast_in_dim3A_22 : memref<77824xf32, #tpu.memory_space<vmem>>[vector<16xi32>], vector<16xf32>,
        %mul3A_379 = arith.constant 8 : i32
        %mul3A_380 = arith.muli %scan3A_330, %mul3A_379 : i32
        %add3A_381 = arith.constant 3 : i32
        %add3A_382 = arith.addi %mul3A_380, %add3A_381 : i32
        %mul3A_383 = arith.constant 16 : i32
        %mul3A_384 = arith.muli %add3A_382, %mul3A_383 : i32
        %get3A_385 = arith.index_cast %mul3A_384 : i32 to index
        %get3A_386 = tpu.vector_load %arg4[%get3A_385] {strides = array<i32>} : memref<4096xi32, #tpu.memory_space<vmem>>, vector<16xi32>,
        %mul3A_387 = arith.constant 4096 : i32
        %mul3A_388 = vector.broadcast %mul3A_387 : i32 to vector<16xi32>
        %mul3A_389 = arith.muli %get3A_386, %mul3A_388 : vector<16xi32>
        %mul3A_390 = arith.constant 16 : i32
        %mul3A_391 = arith.muli %add3A_382, %mul3A_390 : i32
        %add3A_392 = vector.broadcast %mul3A_391 : i32 to vector<16xi32>
        %add3A_393 = arith.addi %iota3A, %add3A_392 : vector<16xi32>
        %add3A_394 = arith.addi %mul3A_389, %add3A_393 : vector<16xi32>
        tpu.vector_store_idx %arg5[%add3A_394], %broadcast_in_dim3A_22 : memref<77824xf32, #tpu.memory_space<vmem>>[vector<16xi32>], vector<16xf32>,
        %mul3A_395 = arith.constant 8 : i32
        %mul3A_396 = arith.muli %scan3A_330, %mul3A_395 : i32
        %add3A_397 = arith.constant 4 : i32
        %add3A_398 = arith.addi %mul3A_396, %add3A_397 : i32
        %mul3A_399 = arith.constant 16 : i32
        %mul3A_400 = arith.muli %add3A_398, %mul3A_399 : i32
        %get3A_401 = arith.index_cast %mul3A_400 : i32 to index
        %get3A_402 = tpu.vector_load %arg4[%get3A_401] {strides = array<i32>} : memref<4096xi32, #tpu.memory_space<vmem>>, vector<16xi32>,
        %mul3A_403 = arith.constant 4096 : i32
        %mul3A_404 = vector.broadcast %mul3A_403 : i32 to vector<16xi32>
        %mul3A_405 = arith.muli %get3A_402, %mul3A_404 : vector<16xi32>
        %mul3A_406 = arith.constant 16 : i32
        %mul3A_407 = arith.muli %add3A_398, %mul3A_406 : i32
        %add3A_408 = vector.broadcast %mul3A_407 : i32 to vector<16xi32>
        %add3A_409 = arith.addi %iota3A, %add3A_408 : vector<16xi32>
        %add3A_410 = arith.addi %mul3A_405, %add3A_409 : vector<16xi32>
        tpu.vector_store_idx %arg5[%add3A_410], %broadcast_in_dim3A_22 : memref<77824xf32, #tpu.memory_space<vmem>>[vector<16xi32>], vector<16xf32>,
        %mul3A_411 = arith.constant 8 : i32
        %mul3A_412 = arith.muli %scan3A_330, %mul3A_411 : i32
        %add3A_413 = arith.constant 5 : i32
        %add3A_414 = arith.addi %mul3A_412, %add3A_413 : i32
        %mul3A_415 = arith.constant 16 : i32
        %mul3A_416 = arith.muli %add3A_414, %mul3A_415 : i32
        %get3A_417 = arith.index_cast %mul3A_416 : i32 to index
        %get3A_418 = tpu.vector_load %arg4[%get3A_417] {strides = array<i32>} : memref<4096xi32, #tpu.memory_space<vmem>>, vector<16xi32>,
        %mul3A_419 = arith.constant 4096 : i32
        %mul3A_420 = vector.broadcast %mul3A_419 : i32 to vector<16xi32>
        %mul3A_421 = arith.muli %get3A_418, %mul3A_420 : vector<16xi32>
        %mul3A_422 = arith.constant 16 : i32
        %mul3A_423 = arith.muli %add3A_414, %mul3A_422 : i32
        %add3A_424 = vector.broadcast %mul3A_423 : i32 to vector<16xi32>
        %add3A_425 = arith.addi %iota3A, %add3A_424 : vector<16xi32>
        %add3A_426 = arith.addi %mul3A_421, %add3A_425 : vector<16xi32>
        tpu.vector_store_idx %arg5[%add3A_426], %broadcast_in_dim3A_22 : memref<77824xf32, #tpu.memory_space<vmem>>[vector<16xi32>], vector<16xf32>,
        %mul3A_427 = arith.constant 8 : i32
        %mul3A_428 = arith.muli %scan3A_330, %mul3A_427 : i32
        %add3A_429 = arith.constant 6 : i32
        %add3A_430 = arith.addi %mul3A_428, %add3A_429 : i32
        %mul3A_431 = arith.constant 16 : i32
        %mul3A_432 = arith.muli %add3A_430, %mul3A_431 : i32
        %get3A_433 = arith.index_cast %mul3A_432 : i32 to index
        %get3A_434 = tpu.vector_load %arg4[%get3A_433] {strides = array<i32>} : memref<4096xi32, #tpu.memory_space<vmem>>, vector<16xi32>,
        %mul3A_435 = arith.constant 4096 : i32
        %mul3A_436 = vector.broadcast %mul3A_435 : i32 to vector<16xi32>
        %mul3A_437 = arith.muli %get3A_434, %mul3A_436 : vector<16xi32>
        %mul3A_438 = arith.constant 16 : i32
        %mul3A_439 = arith.muli %add3A_430, %mul3A_438 : i32
        %add3A_440 = vector.broadcast %mul3A_439 : i32 to vector<16xi32>
        %add3A_441 = arith.addi %iota3A, %add3A_440 : vector<16xi32>
        %add3A_442 = arith.addi %mul3A_437, %add3A_441 : vector<16xi32>
        tpu.vector_store_idx %arg5[%add3A_442], %broadcast_in_dim3A_22 : memref<77824xf32, #tpu.memory_space<vmem>>[vector<16xi32>], vector<16xf32>,
        %mul3A_443 = arith.constant 8 : i32
        %mul3A_444 = arith.muli %scan3A_330, %mul3A_443 : i32
        %add3A_445 = arith.constant 7 : i32
        %add3A_446 = arith.addi %mul3A_444, %add3A_445 : i32
        %mul3A_447 = arith.constant 16 : i32
        %mul3A_448 = arith.muli %add3A_446, %mul3A_447 : i32
        %get3A_449 = arith.index_cast %mul3A_448 : i32 to index
        %get3A_450 = tpu.vector_load %arg4[%get3A_449] {strides = array<i32>} : memref<4096xi32, #tpu.memory_space<vmem>>, vector<16xi32>,
        %mul3A_451 = arith.constant 4096 : i32
        %mul3A_452 = vector.broadcast %mul3A_451 : i32 to vector<16xi32>
        %mul3A_453 = arith.muli %get3A_450, %mul3A_452 : vector<16xi32>
        %mul3A_454 = arith.constant 16 : i32
        %mul3A_455 = arith.muli %add3A_446, %mul3A_454 : i32
        %add3A_456 = vector.broadcast %mul3A_455 : i32 to vector<16xi32>
        %add3A_457 = arith.addi %iota3A, %add3A_456 : vector<16xi32>
        %add3A_458 = arith.addi %mul3A_453, %add3A_457 : vector<16xi32>
        tpu.vector_store_idx %arg5[%add3A_458], %broadcast_in_dim3A_22 : memref<77824xf32, #tpu.memory_space<vmem>>[vector<16xi32>], vector<16xf32>,
        %scan3A_459 = arith.constant 0 : i32
        scf.yield %scan3A_459 : i32
      }
      %scan3A_49 = arith.constant 32 : i32
      %mul3A_50 = arith.constant 19 : i32
      %mul3A_51 = arith.muli %select_n3A, %mul3A_50 : i32
      %mul3A_52 = arith.constant 262144 : i32
      %mul3A_53 = arith.muli %mul3A_51, %mul3A_52 : i32
      %add3A_54 = arith.addi %mul3A_53, %sub3A_21 : i32
      %mul3A_55 = arith.constant 4096 : i32
      %mul3A_56 = arith.muli %scan3A_38, %mul3A_55 : i32
      %add3A_57 = arith.addi %add3A_54, %mul3A_56 : i32
      %add3A_58 = arith.constant 0 : i32
      %add3A_59 = arith.addi %add3A_57, %add3A_58 : i32
      %dma_start3A = arith.constant 0 : i32
      %dma_start3A_60 = tpu.memref_slice %arg5[%dma_start3A] : memref<77824xf32, #tpu.memory_space<vmem>> -> memref<4096xf32, #tpu.memory_space<vmem>>
      %dma_start3A_61 = tpu.memref_slice %arg3[%add3A_59] : memref<39845888xf32, #tpu.memory_space<hbm>> -> memref<4096xf32, #tpu.memory_space<hbm>>
      %dma_start3A_62 = tpu.memref_slice %arg3[%add3A_59] : memref<39845888xf32, #tpu.memory_space<hbm>> -> memref<4096xf32, #tpu.memory_space<hbm>>
      %dma_start3A_63 = arith.constant 0 : i32
      %dma_start3A_64 = tpu.memref_slice %arg5[%dma_start3A_63] : memref<77824xf32, #tpu.memory_space<vmem>> -> memref<4096xf32, #tpu.memory_space<vmem>>
      tpu.enqueue_dma source(%dma_start3A_64 : memref<4096xf32, #tpu.memory_space<vmem>>) target(%dma_start3A_62 : memref<4096xf32, #tpu.memory_space<hbm>>) target_semaphore(%arg6 : memref<!tpu.dma_semaphore, #tpu.memory_space<semaphore_mem>>)
      %add3A_65 = arith.constant 262144 : i32
      %add3A_66 = arith.addi %add3A_57, %add3A_65 : i32
      %dma_start3A_67 = arith.constant 4096 : i32
      %dma_start3A_68 = tpu.memref_slice %arg5[%dma_start3A_67] : memref<77824xf32, #tpu.memory_space<vmem>> -> memref<4096xf32, #tpu.memory_space<vmem>>
      %dma_start3A_69 = tpu.memref_slice %arg3[%add3A_66] : memref<39845888xf32, #tpu.memory_space<hbm>> -> memref<4096xf32, #tpu.memory_space<hbm>>
      %dma_start3A_70 = tpu.memref_slice %arg3[%add3A_66] : memref<39845888xf32, #tpu.memory_space<hbm>> -> memref<4096xf32, #tpu.memory_space<hbm>>
      %dma_start3A_71 = arith.constant 4096 : i32
      %dma_start3A_72 = tpu.memref_slice %arg5[%dma_start3A_71] : memref<77824xf32, #tpu.memory_space<vmem>> -> memref<4096xf32, #tpu.memory_space<vmem>>
      tpu.enqueue_dma source(%dma_start3A_72 : memref<4096xf32, #tpu.memory_space<vmem>>) target(%dma_start3A_70 : memref<4096xf32, #tpu.memory_space<hbm>>) target_semaphore(%arg6 : memref<!tpu.dma_semaphore, #tpu.memory_space<semaphore_mem>>)
      %add3A_73 = arith.constant 524288 : i32
      %add3A_74 = arith.addi %add3A_57, %add3A_73 : i32
      %dma_start3A_75 = arith.constant 8192 : i32
      %dma_start3A_76 = tpu.memref_slice %arg5[%dma_start3A_75] : memref<77824xf32, #tpu.memory_space<vmem>> -> memref<4096xf32, #tpu.memory_space<vmem>>
      %dma_start3A_77 = tpu.memref_slice %arg3[%add3A_74] : memref<39845888xf32, #tpu.memory_space<hbm>> -> memref<4096xf32, #tpu.memory_space<hbm>>
      %dma_start3A_78 = tpu.memref_slice %arg3[%add3A_74] : memref<39845888xf32, #tpu.memory_space<hbm>> -> memref<4096xf32, #tpu.memory_space<hbm>>
      %dma_start3A_79 = arith.constant 8192 : i32
      %dma_start3A_80 = tpu.memref_slice %arg5[%dma_start3A_79] : memref<77824xf32, #tpu.memory_space<vmem>> -> memref<4096xf32, #tpu.memory_space<vmem>>
      tpu.enqueue_dma source(%dma_start3A_80 : memref<4096xf32, #tpu.memory_space<vmem>>) target(%dma_start3A_78 : memref<4096xf32, #tpu.memory_space<hbm>>) target_semaphore(%arg6 : memref<!tpu.dma_semaphore, #tpu.memory_space<semaphore_mem>>)
      %add3A_81 = arith.constant 786432 : i32
      %add3A_82 = arith.addi %add3A_57, %add3A_81 : i32
      %dma_start3A_83 = arith.constant 12288 : i32
      %dma_start3A_84 = tpu.memref_slice %arg5[%dma_start3A_83] : memref<77824xf32, #tpu.memory_space<vmem>> -> memref<4096xf32, #tpu.memory_space<vmem>>
      %dma_start3A_85 = tpu.memref_slice %arg3[%add3A_82] : memref<39845888xf32, #tpu.memory_space<hbm>> -> memref<4096xf32, #tpu.memory_space<hbm>>
      %dma_start3A_86 = tpu.memref_slice %arg3[%add3A_82] : memref<39845888xf32, #tpu.memory_space<hbm>> -> memref<4096xf32, #tpu.memory_space<hbm>>
      %dma_start3A_87 = arith.constant 12288 : i32
      %dma_start3A_88 = tpu.memref_slice %arg5[%dma_start3A_87] : memref<77824xf32, #tpu.memory_space<vmem>> -> memref<4096xf32, #tpu.memory_space<vmem>>
      tpu.enqueue_dma source(%dma_start3A_88 : memref<4096xf32, #tpu.memory_space<vmem>>) target(%dma_start3A_86 : memref<4096xf32, #tpu.memory_space<hbm>>) target_semaphore(%arg6 : memref<!tpu.dma_semaphore, #tpu.memory_space<semaphore_mem>>)
      %add3A_89 = arith.constant 1048576 : i32
      %add3A_90 = arith.addi %add3A_57, %add3A_89 : i32
      %dma_start3A_91 = arith.constant 16384 : i32
      %dma_start3A_92 = tpu.memref_slice %arg5[%dma_start3A_91] : memref<77824xf32, #tpu.memory_space<vmem>> -> memref<4096xf32, #tpu.memory_space<vmem>>
      %dma_start3A_93 = tpu.memref_slice %arg3[%add3A_90] : memref<39845888xf32, #tpu.memory_space<hbm>> -> memref<4096xf32, #tpu.memory_space<hbm>>
      %dma_start3A_94 = tpu.memref_slice %arg3[%add3A_90] : memref<39845888xf32, #tpu.memory_space<hbm>> -> memref<4096xf32, #tpu.memory_space<hbm>>
      %dma_start3A_95 = arith.constant 16384 : i32
      %dma_start3A_96 = tpu.memref_slice %arg5[%dma_start3A_95] : memref<77824xf32, #tpu.memory_space<vmem>> -> memref<4096xf32, #tpu.memory_space<vmem>>
      tpu.enqueue_dma source(%dma_start3A_96 : memref<4096xf32, #tpu.memory_space<vmem>>) target(%dma_start3A_94 : memref<4096xf32, #tpu.memory_space<hbm>>) target_semaphore(%arg6 : memref<!tpu.dma_semaphore, #tpu.memory_space<semaphore_mem>>)
      %add3A_97 = arith.constant 1310720 : i32
      %add3A_98 = arith.addi %add3A_57, %add3A_97 : i32
      %dma_start3A_99 = arith.constant 20480 : i32
      %dma_start3A_100 = tpu.memref_slice %arg5[%dma_start3A_99] : memref<77824xf32, #tpu.memory_space<vmem>> -> memref<4096xf32, #tpu.memory_space<vmem>>
      %dma_start3A_101 = tpu.memref_slice %arg3[%add3A_98] : memref<39845888xf32, #tpu.memory_space<hbm>> -> memref<4096xf32, #tpu.memory_space<hbm>>
      %dma_start3A_102 = tpu.memref_slice %arg3[%add3A_98] : memref<39845888xf32, #tpu.memory_space<hbm>> -> memref<4096xf32, #tpu.memory_space<hbm>>
      %dma_start3A_103 = arith.constant 20480 : i32
      %dma_start3A_104 = tpu.memref_slice %arg5[%dma_start3A_103] : memref<77824xf32, #tpu.memory_space<vmem>> -> memref<4096xf32, #tpu.memory_space<vmem>>
      tpu.enqueue_dma source(%dma_start3A_104 : memref<4096xf32, #tpu.memory_space<vmem>>) target(%dma_start3A_102 : memref<4096xf32, #tpu.memory_space<hbm>>) target_semaphore(%arg6 : memref<!tpu.dma_semaphore, #tpu.memory_space<semaphore_mem>>)
      %add3A_105 = arith.constant 1572864 : i32
      %add3A_106 = arith.addi %add3A_57, %add3A_105 : i32
      %dma_start3A_107 = arith.constant 24576 : i32
      %dma_start3A_108 = tpu.memref_slice %arg5[%dma_start3A_107] : memref<77824xf32, #tpu.memory_space<vmem>> -> memref<4096xf32, #tpu.memory_space<vmem>>
      %dma_start3A_109 = tpu.memref_slice %arg3[%add3A_106] : memref<39845888xf32, #tpu.memory_space<hbm>> -> memref<4096xf32, #tpu.memory_space<hbm>>
      %dma_start3A_110 = tpu.memref_slice %arg3[%add3A_106] : memref<39845888xf32, #tpu.memory_space<hbm>> -> memref<4096xf32, #tpu.memory_space<hbm>>
      %dma_start3A_111 = arith.constant 24576 : i32
      %dma_start3A_112 = tpu.memref_slice %arg5[%dma_start3A_111] : memref<77824xf32, #tpu.memory_space<vmem>> -> memref<4096xf32, #tpu.memory_space<vmem>>
      tpu.enqueue_dma source(%dma_start3A_112 : memref<4096xf32, #tpu.memory_space<vmem>>) target(%dma_start3A_110 : memref<4096xf32, #tpu.memory_space<hbm>>) target_semaphore(%arg6 : memref<!tpu.dma_semaphore, #tpu.memory_space<semaphore_mem>>)
      %add3A_113 = arith.constant 1835008 : i32
      %add3A_114 = arith.addi %add3A_57, %add3A_113 : i32
      %dma_start3A_115 = arith.constant 28672 : i32
      %dma_start3A_116 = tpu.memref_slice %arg5[%dma_start3A_115] : memref<77824xf32, #tpu.memory_space<vmem>> -> memref<4096xf32, #tpu.memory_space<vmem>>
      %dma_start3A_117 = tpu.memref_slice %arg3[%add3A_114] : memref<39845888xf32, #tpu.memory_space<hbm>> -> memref<4096xf32, #tpu.memory_space<hbm>>
      %dma_start3A_118 = tpu.memref_slice %arg3[%add3A_114] : memref<39845888xf32, #tpu.memory_space<hbm>> -> memref<4096xf32, #tpu.memory_space<hbm>>
      %dma_start3A_119 = arith.constant 28672 : i32
      %dma_start3A_120 = tpu.memref_slice %arg5[%dma_start3A_119] : memref<77824xf32, #tpu.memory_space<vmem>> -> memref<4096xf32, #tpu.memory_space<vmem>>
      tpu.enqueue_dma source(%dma_start3A_120 : memref<4096xf32, #tpu.memory_space<vmem>>) target(%dma_start3A_118 : memref<4096xf32, #tpu.memory_space<hbm>>) target_semaphore(%arg6 : memref<!tpu.dma_semaphore, #tpu.memory_space<semaphore_mem>>)
      %add3A_121 = arith.constant 2097152 : i32
      %add3A_122 = arith.addi %add3A_57, %add3A_121 : i32
      %dma_start3A_123 = arith.constant 32768 : i32
      %dma_start3A_124 = tpu.memref_slice %arg5[%dma_start3A_123] : memref<77824xf32, #tpu.memory_space<vmem>> -> memref<4096xf32, #tpu.memory_space<vmem>>
      %dma_start3A_125 = tpu.memref_slice %arg3[%add3A_122] : memref<39845888xf32, #tpu.memory_space<hbm>> -> memref<4096xf32, #tpu.memory_space<hbm>>
      %dma_start3A_126 = tpu.memref_slice %arg3[%add3A_122] : memref<39845888xf32, #tpu.memory_space<hbm>> -> memref<4096xf32, #tpu.memory_space<hbm>>
      %dma_start3A_127 = arith.constant 32768 : i32
      %dma_start3A_128 = tpu.memref_slice %arg5[%dma_start3A_127] : memref<77824xf32, #tpu.memory_space<vmem>> -> memref<4096xf32, #tpu.memory_space<vmem>>
      tpu.enqueue_dma source(%dma_start3A_128 : memref<4096xf32, #tpu.memory_space<vmem>>) target(%dma_start3A_126 : memref<4096xf32, #tpu.memory_space<hbm>>) target_semaphore(%arg6 : memref<!tpu.dma_semaphore, #tpu.memory_space<semaphore_mem>>)
      %add3A_129 = arith.constant 2359296 : i32
      %add3A_130 = arith.addi %add3A_57, %add3A_129 : i32
      %dma_start3A_131 = arith.constant 36864 : i32
      %dma_start3A_132 = tpu.memref_slice %arg5[%dma_start3A_131] : memref<77824xf32, #tpu.memory_space<vmem>> -> memref<4096xf32, #tpu.memory_space<vmem>>
      %dma_start3A_133 = tpu.memref_slice %arg3[%add3A_130] : memref<39845888xf32, #tpu.memory_space<hbm>> -> memref<4096xf32, #tpu.memory_space<hbm>>
      %dma_start3A_134 = tpu.memref_slice %arg3[%add3A_130] : memref<39845888xf32, #tpu.memory_space<hbm>> -> memref<4096xf32, #tpu.memory_space<hbm>>
      %dma_start3A_135 = arith.constant 36864 : i32
      %dma_start3A_136 = tpu.memref_slice %arg5[%dma_start3A_135] : memref<77824xf32, #tpu.memory_space<vmem>> -> memref<4096xf32, #tpu.memory_space<vmem>>
      tpu.enqueue_dma source(%dma_start3A_136 : memref<4096xf32, #tpu.memory_space<vmem>>) target(%dma_start3A_134 : memref<4096xf32, #tpu.memory_space<hbm>>) target_semaphore(%arg6 : memref<!tpu.dma_semaphore, #tpu.memory_space<semaphore_mem>>)
      %add3A_137 = arith.constant 2621440 : i32
      %add3A_138 = arith.addi %add3A_57, %add3A_137 : i32
      %dma_start3A_139 = arith.constant 40960 : i32
      %dma_start3A_140 = tpu.memref_slice %arg5[%dma_start3A_139] : memref<77824xf32, #tpu.memory_space<vmem>> -> memref<4096xf32, #tpu.memory_space<vmem>>
      %dma_start3A_141 = tpu.memref_slice %arg3[%add3A_138] : memref<39845888xf32, #tpu.memory_space<hbm>> -> memref<4096xf32, #tpu.memory_space<hbm>>
      %dma_start3A_142 = tpu.memref_slice %arg3[%add3A_138] : memref<39845888xf32, #tpu.memory_space<hbm>> -> memref<4096xf32, #tpu.memory_space<hbm>>
      %dma_start3A_143 = arith.constant 40960 : i32
      %dma_start3A_144 = tpu.memref_slice %arg5[%dma_start3A_143] : memref<77824xf32, #tpu.memory_space<vmem>> -> memref<4096xf32, #tpu.memory_space<vmem>>
      tpu.enqueue_dma source(%dma_start3A_144 : memref<4096xf32, #tpu.memory_space<vmem>>) target(%dma_start3A_142 : memref<4096xf32, #tpu.memory_space<hbm>>) target_semaphore(%arg6 : memref<!tpu.dma_semaphore, #tpu.memory_space<semaphore_mem>>)
      %add3A_145 = arith.constant 2883584 : i32
      %add3A_146 = arith.addi %add3A_57, %add3A_145 : i32
      %dma_start3A_147 = arith.constant 45056 : i32
      %dma_start3A_148 = tpu.memref_slice %arg5[%dma_start3A_147] : memref<77824xf32, #tpu.memory_space<vmem>> -> memref<4096xf32, #tpu.memory_space<vmem>>
      %dma_start3A_149 = tpu.memref_slice %arg3[%add3A_146] : memref<39845888xf32, #tpu.memory_space<hbm>> -> memref<4096xf32, #tpu.memory_space<hbm>>
      %dma_start3A_150 = tpu.memref_slice %arg3[%add3A_146] : memref<39845888xf32, #tpu.memory_space<hbm>> -> memref<4096xf32, #tpu.memory_space<hbm>>
      %dma_start3A_151 = arith.constant 45056 : i32
      %dma_start3A_152 = tpu.memref_slice %arg5[%dma_start3A_151] : memref<77824xf32, #tpu.memory_space<vmem>> -> memref<4096xf32, #tpu.memory_space<vmem>>
      tpu.enqueue_dma source(%dma_start3A_152 : memref<4096xf32, #tpu.memory_space<vmem>>) target(%dma_start3A_150 : memref<4096xf32, #tpu.memory_space<hbm>>) target_semaphore(%arg6 : memref<!tpu.dma_semaphore, #tpu.memory_space<semaphore_mem>>)
      %add3A_153 = arith.constant 3145728 : i32
      %add3A_154 = arith.addi %add3A_57, %add3A_153 : i32
      %dma_start3A_155 = arith.constant 49152 : i32
      %dma_start3A_156 = tpu.memref_slice %arg5[%dma_start3A_155] : memref<77824xf32, #tpu.memory_space<vmem>> -> memref<4096xf32, #tpu.memory_space<vmem>>
      %dma_start3A_157 = tpu.memref_slice %arg3[%add3A_154] : memref<39845888xf32, #tpu.memory_space<hbm>> -> memref<4096xf32, #tpu.memory_space<hbm>>
      %dma_start3A_158 = tpu.memref_slice %arg3[%add3A_154] : memref<39845888xf32, #tpu.memory_space<hbm>> -> memref<4096xf32, #tpu.memory_space<hbm>>
      %dma_start3A_159 = arith.constant 49152 : i32
      %dma_start3A_160 = tpu.memref_slice %arg5[%dma_start3A_159] : memref<77824xf32, #tpu.memory_space<vmem>> -> memref<4096xf32, #tpu.memory_space<vmem>>
      tpu.enqueue_dma source(%dma_start3A_160 : memref<4096xf32, #tpu.memory_space<vmem>>) target(%dma_start3A_158 : memref<4096xf32, #tpu.memory_space<hbm>>) target_semaphore(%arg6 : memref<!tpu.dma_semaphore, #tpu.memory_space<semaphore_mem>>)
      %add3A_161 = arith.constant 3407872 : i32
      %add3A_162 = arith.addi %add3A_57, %add3A_161 : i32
      %dma_start3A_163 = arith.constant 53248 : i32
      %dma_start3A_164 = tpu.memref_slice %arg5[%dma_start3A_163] : memref<77824xf32, #tpu.memory_space<vmem>> -> memref<4096xf32, #tpu.memory_space<vmem>>
      %dma_start3A_165 = tpu.memref_slice %arg3[%add3A_162] : memref<39845888xf32, #tpu.memory_space<hbm>> -> memref<4096xf32, #tpu.memory_space<hbm>>
      %dma_start3A_166 = tpu.memref_slice %arg3[%add3A_162] : memref<39845888xf32, #tpu.memory_space<hbm>> -> memref<4096xf32, #tpu.memory_space<hbm>>
      %dma_start3A_167 = arith.constant 53248 : i32
      %dma_start3A_168 = tpu.memref_slice %arg5[%dma_start3A_167] : memref<77824xf32, #tpu.memory_space<vmem>> -> memref<4096xf32, #tpu.memory_space<vmem>>
      tpu.enqueue_dma source(%dma_start3A_168 : memref<4096xf32, #tpu.memory_space<vmem>>) target(%dma_start3A_166 : memref<4096xf32, #tpu.memory_space<hbm>>) target_semaphore(%arg6 : memref<!tpu.dma_semaphore, #tpu.memory_space<semaphore_mem>>)
      %add3A_169 = arith.constant 3670016 : i32
      %add3A_170 = arith.addi %add3A_57, %add3A_169 : i32
      %dma_start3A_171 = arith.constant 57344 : i32
      %dma_start3A_172 = tpu.memref_slice %arg5[%dma_start3A_171] : memref<77824xf32, #tpu.memory_space<vmem>> -> memref<4096xf32, #tpu.memory_space<vmem>>
      %dma_start3A_173 = tpu.memref_slice %arg3[%add3A_170] : memref<39845888xf32, #tpu.memory_space<hbm>> -> memref<4096xf32, #tpu.memory_space<hbm>>
      %dma_start3A_174 = tpu.memref_slice %arg3[%add3A_170] : memref<39845888xf32, #tpu.memory_space<hbm>> -> memref<4096xf32, #tpu.memory_space<hbm>>
      %dma_start3A_175 = arith.constant 57344 : i32
      %dma_start3A_176 = tpu.memref_slice %arg5[%dma_start3A_175] : memref<77824xf32, #tpu.memory_space<vmem>> -> memref<4096xf32, #tpu.memory_space<vmem>>
      tpu.enqueue_dma source(%dma_start3A_176 : memref<4096xf32, #tpu.memory_space<vmem>>) target(%dma_start3A_174 : memref<4096xf32, #tpu.memory_space<hbm>>) target_semaphore(%arg6 : memref<!tpu.dma_semaphore, #tpu.memory_space<semaphore_mem>>)
      %add3A_177 = arith.constant 3932160 : i32
      %add3A_178 = arith.addi %add3A_57, %add3A_177 : i32
      %dma_start3A_179 = arith.constant 61440 : i32
      %dma_start3A_180 = tpu.memref_slice %arg5[%dma_start3A_179] : memref<77824xf32, #tpu.memory_space<vmem>> -> memref<4096xf32, #tpu.memory_space<vmem>>
      %dma_start3A_181 = tpu.memref_slice %arg3[%add3A_178] : memref<39845888xf32, #tpu.memory_space<hbm>> -> memref<4096xf32, #tpu.memory_space<hbm>>
      %dma_start3A_182 = tpu.memref_slice %arg3[%add3A_178] : memref<39845888xf32, #tpu.memory_space<hbm>> -> memref<4096xf32, #tpu.memory_space<hbm>>
      %dma_start3A_183 = arith.constant 61440 : i32
      %dma_start3A_184 = tpu.memref_slice %arg5[%dma_start3A_183] : memref<77824xf32, #tpu.memory_space<vmem>> -> memref<4096xf32, #tpu.memory_space<vmem>>
      tpu.enqueue_dma source(%dma_start3A_184 : memref<4096xf32, #tpu.memory_space<vmem>>) target(%dma_start3A_182 : memref<4096xf32, #tpu.memory_space<hbm>>) target_semaphore(%arg6 : memref<!tpu.dma_semaphore, #tpu.memory_space<semaphore_mem>>)
      %add3A_185 = arith.constant 4194304 : i32
      %add3A_186 = arith.addi %add3A_57, %add3A_185 : i32
      %dma_start3A_187 = arith.constant 65536 : i32
      %dma_start3A_188 = tpu.memref_slice %arg5[%dma_start3A_187] : memref<77824xf32, #tpu.memory_space<vmem>> -> memref<4096xf32, #tpu.memory_space<vmem>>
      %dma_start3A_189 = tpu.memref_slice %arg3[%add3A_186] : memref<39845888xf32, #tpu.memory_space<hbm>> -> memref<4096xf32, #tpu.memory_space<hbm>>
      %dma_start3A_190 = tpu.memref_slice %arg3[%add3A_186] : memref<39845888xf32, #tpu.memory_space<hbm>> -> memref<4096xf32, #tpu.memory_space<hbm>>
      %dma_start3A_191 = arith.constant 65536 : i32
      %dma_start3A_192 = tpu.memref_slice %arg5[%dma_start3A_191] : memref<77824xf32, #tpu.memory_space<vmem>> -> memref<4096xf32, #tpu.memory_space<vmem>>
      tpu.enqueue_dma source(%dma_start3A_192 : memref<4096xf32, #tpu.memory_space<vmem>>) target(%dma_start3A_190 : memref<4096xf32, #tpu.memory_space<hbm>>) target_semaphore(%arg6 : memref<!tpu.dma_semaphore, #tpu.memory_space<semaphore_mem>>)
      %add3A_193 = arith.constant 4456448 : i32
      %add3A_194 = arith.addi %add3A_57, %add3A_193 : i32
      %dma_start3A_195 = arith.constant 69632 : i32
      %dma_start3A_196 = tpu.memref_slice %arg5[%dma_start3A_195] : memref<77824xf32, #tpu.memory_space<vmem>> -> memref<4096xf32, #tpu.memory_space<vmem>>
      %dma_start3A_197 = tpu.memref_slice %arg3[%add3A_194] : memref<39845888xf32, #tpu.memory_space<hbm>> -> memref<4096xf32, #tpu.memory_space<hbm>>
      %dma_start3A_198 = tpu.memref_slice %arg3[%add3A_194] : memref<39845888xf32, #tpu.memory_space<hbm>> -> memref<4096xf32, #tpu.memory_space<hbm>>
      %dma_start3A_199 = arith.constant 69632 : i32
      %dma_start3A_200 = tpu.memref_slice %arg5[%dma_start3A_199] : memref<77824xf32, #tpu.memory_space<vmem>> -> memref<4096xf32, #tpu.memory_space<vmem>>
      tpu.enqueue_dma source(%dma_start3A_200 : memref<4096xf32, #tpu.memory_space<vmem>>) target(%dma_start3A_198 : memref<4096xf32, #tpu.memory_space<hbm>>) target_semaphore(%arg6 : memref<!tpu.dma_semaphore, #tpu.memory_space<semaphore_mem>>)
      %add3A_201 = arith.constant 4718592 : i32
      %add3A_202 = arith.addi %add3A_57, %add3A_201 : i32
      %dma_start3A_203 = arith.constant 73728 : i32
      %dma_start3A_204 = tpu.memref_slice %arg5[%dma_start3A_203] : memref<77824xf32, #tpu.memory_space<vmem>> -> memref<4096xf32, #tpu.memory_space<vmem>>
      %dma_start3A_205 = tpu.memref_slice %arg3[%add3A_202] : memref<39845888xf32, #tpu.memory_space<hbm>> -> memref<4096xf32, #tpu.memory_space<hbm>>
      %dma_start3A_206 = tpu.memref_slice %arg3[%add3A_202] : memref<39845888xf32, #tpu.memory_space<hbm>> -> memref<4096xf32, #tpu.memory_space<hbm>>
      %dma_start3A_207 = arith.constant 73728 : i32
      %dma_start3A_208 = tpu.memref_slice %arg5[%dma_start3A_207] : memref<77824xf32, #tpu.memory_space<vmem>> -> memref<4096xf32, #tpu.memory_space<vmem>>
      tpu.enqueue_dma source(%dma_start3A_208 : memref<4096xf32, #tpu.memory_space<vmem>>) target(%dma_start3A_206 : memref<4096xf32, #tpu.memory_space<hbm>>) target_semaphore(%arg6 : memref<!tpu.dma_semaphore, #tpu.memory_space<semaphore_mem>>)
      %dma_wait3A = arith.constant 0 : i32
      %dma_wait3A_209 = tpu.memref_slice %arg5[%dma_wait3A] : memref<77824xf32, #tpu.memory_space<vmem>> -> memref<4096xf32, #tpu.memory_space<vmem>>
      %dma_wait3A_210 = tpu.memref_slice %arg3[%add3A_59] : memref<39845888xf32, #tpu.memory_space<hbm>> -> memref<4096xf32, #tpu.memory_space<hbm>>
      %dma_wait3A_211 = tpu.memref_slice %arg3[%add3A_59] : memref<39845888xf32, #tpu.memory_space<hbm>> -> memref<4096xf32, #tpu.memory_space<hbm>>
      %dma_wait3A_212 = arith.constant 0 : i32
      %dma_wait3A_213 = tpu.memref_slice %arg5[%dma_wait3A_212] : memref<77824xf32, #tpu.memory_space<vmem>> -> memref<4096xf32, #tpu.memory_space<vmem>>
      tpu.wait_dma2 semaphore(%arg6 : memref<!tpu.dma_semaphore, #tpu.memory_space<semaphore_mem>>) src(%dma_wait3A_213 : memref<4096xf32, #tpu.memory_space<vmem>>) dst(%dma_wait3A_211 : memref<4096xf32, #tpu.memory_space<hbm>>)
      %dma_wait3A_214 = arith.constant 4096 : i32
      %dma_wait3A_215 = tpu.memref_slice %arg5[%dma_wait3A_214] : memref<77824xf32, #tpu.memory_space<vmem>> -> memref<4096xf32, #tpu.memory_space<vmem>>
      %dma_wait3A_216 = tpu.memref_slice %arg3[%add3A_66] : memref<39845888xf32, #tpu.memory_space<hbm>> -> memref<4096xf32, #tpu.memory_space<hbm>>
      %dma_wait3A_217 = tpu.memref_slice %arg3[%add3A_66] : memref<39845888xf32, #tpu.memory_space<hbm>> -> memref<4096xf32, #tpu.memory_space<hbm>>
      %dma_wait3A_218 = arith.constant 4096 : i32
      %dma_wait3A_219 = tpu.memref_slice %arg5[%dma_wait3A_218] : memref<77824xf32, #tpu.memory_space<vmem>> -> memref<4096xf32, #tpu.memory_space<vmem>>
      tpu.wait_dma2 semaphore(%arg6 : memref<!tpu.dma_semaphore, #tpu.memory_space<semaphore_mem>>) src(%dma_wait3A_219 : memref<4096xf32, #tpu.memory_space<vmem>>) dst(%dma_wait3A_217 : memref<4096xf32, #tpu.memory_space<hbm>>)
      %dma_wait3A_220 = arith.constant 8192 : i32
      %dma_wait3A_221 = tpu.memref_slice %arg5[%dma_wait3A_220] : memref<77824xf32, #tpu.memory_space<vmem>> -> memref<4096xf32, #tpu.memory_space<vmem>>
      %dma_wait3A_222 = tpu.memref_slice %arg3[%add3A_74] : memref<39845888xf32, #tpu.memory_space<hbm>> -> memref<4096xf32, #tpu.memory_space<hbm>>
      %dma_wait3A_223 = tpu.memref_slice %arg3[%add3A_74] : memref<39845888xf32, #tpu.memory_space<hbm>> -> memref<4096xf32, #tpu.memory_space<hbm>>
      %dma_wait3A_224 = arith.constant 8192 : i32
      %dma_wait3A_225 = tpu.memref_slice %arg5[%dma_wait3A_224] : memref<77824xf32, #tpu.memory_space<vmem>> -> memref<4096xf32, #tpu.memory_space<vmem>>
      tpu.wait_dma2 semaphore(%arg6 : memref<!tpu.dma_semaphore, #tpu.memory_space<semaphore_mem>>) src(%dma_wait3A_225 : memref<4096xf32, #tpu.memory_space<vmem>>) dst(%dma_wait3A_223 : memref<4096xf32, #tpu.memory_space<hbm>>)
      %dma_wait3A_226 = arith.constant 12288 : i32
      %dma_wait3A_227 = tpu.memref_slice %arg5[%dma_wait3A_226] : memref<77824xf32, #tpu.memory_space<vmem>> -> memref<4096xf32, #tpu.memory_space<vmem>>
      %dma_wait3A_228 = tpu.memref_slice %arg3[%add3A_82] : memref<39845888xf32, #tpu.memory_space<hbm>> -> memref<4096xf32, #tpu.memory_space<hbm>>
      %dma_wait3A_229 = tpu.memref_slice %arg3[%add3A_82] : memref<39845888xf32, #tpu.memory_space<hbm>> -> memref<4096xf32, #tpu.memory_space<hbm>>
      %dma_wait3A_230 = arith.constant 12288 : i32
      %dma_wait3A_231 = tpu.memref_slice %arg5[%dma_wait3A_230] : memref<77824xf32, #tpu.memory_space<vmem>> -> memref<4096xf32, #tpu.memory_space<vmem>>
      tpu.wait_dma2 semaphore(%arg6 : memref<!tpu.dma_semaphore, #tpu.memory_space<semaphore_mem>>) src(%dma_wait3A_231 : memref<4096xf32, #tpu.memory_space<vmem>>) dst(%dma_wait3A_229 : memref<4096xf32, #tpu.memory_space<hbm>>)
      %dma_wait3A_232 = arith.constant 16384 : i32
      %dma_wait3A_233 = tpu.memref_slice %arg5[%dma_wait3A_232] : memref<77824xf32, #tpu.memory_space<vmem>> -> memref<4096xf32, #tpu.memory_space<vmem>>
      %dma_wait3A_234 = tpu.memref_slice %arg3[%add3A_90] : memref<39845888xf32, #tpu.memory_space<hbm>> -> memref<4096xf32, #tpu.memory_space<hbm>>
      %dma_wait3A_235 = tpu.memref_slice %arg3[%add3A_90] : memref<39845888xf32, #tpu.memory_space<hbm>> -> memref<4096xf32, #tpu.memory_space<hbm>>
      %dma_wait3A_236 = arith.constant 16384 : i32
      %dma_wait3A_237 = tpu.memref_slice %arg5[%dma_wait3A_236] : memref<77824xf32, #tpu.memory_space<vmem>> -> memref<4096xf32, #tpu.memory_space<vmem>>
      tpu.wait_dma2 semaphore(%arg6 : memref<!tpu.dma_semaphore, #tpu.memory_space<semaphore_mem>>) src(%dma_wait3A_237 : memref<4096xf32, #tpu.memory_space<vmem>>) dst(%dma_wait3A_235 : memref<4096xf32, #tpu.memory_space<hbm>>)
      %dma_wait3A_238 = arith.constant 20480 : i32
      %dma_wait3A_239 = tpu.memref_slice %arg5[%dma_wait3A_238] : memref<77824xf32, #tpu.memory_space<vmem>> -> memref<4096xf32, #tpu.memory_space<vmem>>
      %dma_wait3A_240 = tpu.memref_slice %arg3[%add3A_98] : memref<39845888xf32, #tpu.memory_space<hbm>> -> memref<4096xf32, #tpu.memory_space<hbm>>
      %dma_wait3A_241 = tpu.memref_slice %arg3[%add3A_98] : memref<39845888xf32, #tpu.memory_space<hbm>> -> memref<4096xf32, #tpu.memory_space<hbm>>
      %dma_wait3A_242 = arith.constant 20480 : i32
      %dma_wait3A_243 = tpu.memref_slice %arg5[%dma_wait3A_242] : memref<77824xf32, #tpu.memory_space<vmem>> -> memref<4096xf32, #tpu.memory_space<vmem>>
      tpu.wait_dma2 semaphore(%arg6 : memref<!tpu.dma_semaphore, #tpu.memory_space<semaphore_mem>>) src(%dma_wait3A_243 : memref<4096xf32, #tpu.memory_space<vmem>>) dst(%dma_wait3A_241 : memref<4096xf32, #tpu.memory_space<hbm>>)
      %dma_wait3A_244 = arith.constant 24576 : i32
      %dma_wait3A_245 = tpu.memref_slice %arg5[%dma_wait3A_244] : memref<77824xf32, #tpu.memory_space<vmem>> -> memref<4096xf32, #tpu.memory_space<vmem>>
      %dma_wait3A_246 = tpu.memref_slice %arg3[%add3A_106] : memref<39845888xf32, #tpu.memory_space<hbm>> -> memref<4096xf32, #tpu.memory_space<hbm>>
      %dma_wait3A_247 = tpu.memref_slice %arg3[%add3A_106] : memref<39845888xf32, #tpu.memory_space<hbm>> -> memref<4096xf32, #tpu.memory_space<hbm>>
      %dma_wait3A_248 = arith.constant 24576 : i32
      %dma_wait3A_249 = tpu.memref_slice %arg5[%dma_wait3A_248] : memref<77824xf32, #tpu.memory_space<vmem>> -> memref<4096xf32, #tpu.memory_space<vmem>>
      tpu.wait_dma2 semaphore(%arg6 : memref<!tpu.dma_semaphore, #tpu.memory_space<semaphore_mem>>) src(%dma_wait3A_249 : memref<4096xf32, #tpu.memory_space<vmem>>) dst(%dma_wait3A_247 : memref<4096xf32, #tpu.memory_space<hbm>>)
      %dma_wait3A_250 = arith.constant 28672 : i32
      %dma_wait3A_251 = tpu.memref_slice %arg5[%dma_wait3A_250] : memref<77824xf32, #tpu.memory_space<vmem>> -> memref<4096xf32, #tpu.memory_space<vmem>>
      %dma_wait3A_252 = tpu.memref_slice %arg3[%add3A_114] : memref<39845888xf32, #tpu.memory_space<hbm>> -> memref<4096xf32, #tpu.memory_space<hbm>>
      %dma_wait3A_253 = tpu.memref_slice %arg3[%add3A_114] : memref<39845888xf32, #tpu.memory_space<hbm>> -> memref<4096xf32, #tpu.memory_space<hbm>>
      %dma_wait3A_254 = arith.constant 28672 : i32
      %dma_wait3A_255 = tpu.memref_slice %arg5[%dma_wait3A_254] : memref<77824xf32, #tpu.memory_space<vmem>> -> memref<4096xf32, #tpu.memory_space<vmem>>
      tpu.wait_dma2 semaphore(%arg6 : memref<!tpu.dma_semaphore, #tpu.memory_space<semaphore_mem>>) src(%dma_wait3A_255 : memref<4096xf32, #tpu.memory_space<vmem>>) dst(%dma_wait3A_253 : memref<4096xf32, #tpu.memory_space<hbm>>)
      %dma_wait3A_256 = arith.constant 32768 : i32
      %dma_wait3A_257 = tpu.memref_slice %arg5[%dma_wait3A_256] : memref<77824xf32, #tpu.memory_space<vmem>> -> memref<4096xf32, #tpu.memory_space<vmem>>
      %dma_wait3A_258 = tpu.memref_slice %arg3[%add3A_122] : memref<39845888xf32, #tpu.memory_space<hbm>> -> memref<4096xf32, #tpu.memory_space<hbm>>
      %dma_wait3A_259 = tpu.memref_slice %arg3[%add3A_122] : memref<39845888xf32, #tpu.memory_space<hbm>> -> memref<4096xf32, #tpu.memory_space<hbm>>
      %dma_wait3A_260 = arith.constant 32768 : i32
      %dma_wait3A_261 = tpu.memref_slice %arg5[%dma_wait3A_260] : memref<77824xf32, #tpu.memory_space<vmem>> -> memref<4096xf32, #tpu.memory_space<vmem>>
      tpu.wait_dma2 semaphore(%arg6 : memref<!tpu.dma_semaphore, #tpu.memory_space<semaphore_mem>>) src(%dma_wait3A_261 : memref<4096xf32, #tpu.memory_space<vmem>>) dst(%dma_wait3A_259 : memref<4096xf32, #tpu.memory_space<hbm>>)
      %dma_wait3A_262 = arith.constant 36864 : i32
      %dma_wait3A_263 = tpu.memref_slice %arg5[%dma_wait3A_262] : memref<77824xf32, #tpu.memory_space<vmem>> -> memref<4096xf32, #tpu.memory_space<vmem>>
      %dma_wait3A_264 = tpu.memref_slice %arg3[%add3A_130] : memref<39845888xf32, #tpu.memory_space<hbm>> -> memref<4096xf32, #tpu.memory_space<hbm>>
      %dma_wait3A_265 = tpu.memref_slice %arg3[%add3A_130] : memref<39845888xf32, #tpu.memory_space<hbm>> -> memref<4096xf32, #tpu.memory_space<hbm>>
      %dma_wait3A_266 = arith.constant 36864 : i32
      %dma_wait3A_267 = tpu.memref_slice %arg5[%dma_wait3A_266] : memref<77824xf32, #tpu.memory_space<vmem>> -> memref<4096xf32, #tpu.memory_space<vmem>>
      tpu.wait_dma2 semaphore(%arg6 : memref<!tpu.dma_semaphore, #tpu.memory_space<semaphore_mem>>) src(%dma_wait3A_267 : memref<4096xf32, #tpu.memory_space<vmem>>) dst(%dma_wait3A_265 : memref<4096xf32, #tpu.memory_space<hbm>>)
      %dma_wait3A_268 = arith.constant 40960 : i32
      %dma_wait3A_269 = tpu.memref_slice %arg5[%dma_wait3A_268] : memref<77824xf32, #tpu.memory_space<vmem>> -> memref<4096xf32, #tpu.memory_space<vmem>>
      %dma_wait3A_270 = tpu.memref_slice %arg3[%add3A_138] : memref<39845888xf32, #tpu.memory_space<hbm>> -> memref<4096xf32, #tpu.memory_space<hbm>>
      %dma_wait3A_271 = tpu.memref_slice %arg3[%add3A_138] : memref<39845888xf32, #tpu.memory_space<hbm>> -> memref<4096xf32, #tpu.memory_space<hbm>>
      %dma_wait3A_272 = arith.constant 40960 : i32
      %dma_wait3A_273 = tpu.memref_slice %arg5[%dma_wait3A_272] : memref<77824xf32, #tpu.memory_space<vmem>> -> memref<4096xf32, #tpu.memory_space<vmem>>
      tpu.wait_dma2 semaphore(%arg6 : memref<!tpu.dma_semaphore, #tpu.memory_space<semaphore_mem>>) src(%dma_wait3A_273 : memref<4096xf32, #tpu.memory_space<vmem>>) dst(%dma_wait3A_271 : memref<4096xf32, #tpu.memory_space<hbm>>)
      %dma_wait3A_274 = arith.constant 45056 : i32
      %dma_wait3A_275 = tpu.memref_slice %arg5[%dma_wait3A_274] : memref<77824xf32, #tpu.memory_space<vmem>> -> memref<4096xf32, #tpu.memory_space<vmem>>
      %dma_wait3A_276 = tpu.memref_slice %arg3[%add3A_146] : memref<39845888xf32, #tpu.memory_space<hbm>> -> memref<4096xf32, #tpu.memory_space<hbm>>
      %dma_wait3A_277 = tpu.memref_slice %arg3[%add3A_146] : memref<39845888xf32, #tpu.memory_space<hbm>> -> memref<4096xf32, #tpu.memory_space<hbm>>
      %dma_wait3A_278 = arith.constant 45056 : i32
      %dma_wait3A_279 = tpu.memref_slice %arg5[%dma_wait3A_278] : memref<77824xf32, #tpu.memory_space<vmem>> -> memref<4096xf32, #tpu.memory_space<vmem>>
      tpu.wait_dma2 semaphore(%arg6 : memref<!tpu.dma_semaphore, #tpu.memory_space<semaphore_mem>>) src(%dma_wait3A_279 : memref<4096xf32, #tpu.memory_space<vmem>>) dst(%dma_wait3A_277 : memref<4096xf32, #tpu.memory_space<hbm>>)
      %dma_wait3A_280 = arith.constant 49152 : i32
      %dma_wait3A_281 = tpu.memref_slice %arg5[%dma_wait3A_280] : memref<77824xf32, #tpu.memory_space<vmem>> -> memref<4096xf32, #tpu.memory_space<vmem>>
      %dma_wait3A_282 = tpu.memref_slice %arg3[%add3A_154] : memref<39845888xf32, #tpu.memory_space<hbm>> -> memref<4096xf32, #tpu.memory_space<hbm>>
      %dma_wait3A_283 = tpu.memref_slice %arg3[%add3A_154] : memref<39845888xf32, #tpu.memory_space<hbm>> -> memref<4096xf32, #tpu.memory_space<hbm>>
      %dma_wait3A_284 = arith.constant 49152 : i32
      %dma_wait3A_285 = tpu.memref_slice %arg5[%dma_wait3A_284] : memref<77824xf32, #tpu.memory_space<vmem>> -> memref<4096xf32, #tpu.memory_space<vmem>>
      tpu.wait_dma2 semaphore(%arg6 : memref<!tpu.dma_semaphore, #tpu.memory_space<semaphore_mem>>) src(%dma_wait3A_285 : memref<4096xf32, #tpu.memory_space<vmem>>) dst(%dma_wait3A_283 : memref<4096xf32, #tpu.memory_space<hbm>>)
      %dma_wait3A_286 = arith.constant 53248 : i32
      %dma_wait3A_287 = tpu.memref_slice %arg5[%dma_wait3A_286] : memref<77824xf32, #tpu.memory_space<vmem>> -> memref<4096xf32, #tpu.memory_space<vmem>>
      %dma_wait3A_288 = tpu.memref_slice %arg3[%add3A_162] : memref<39845888xf32, #tpu.memory_space<hbm>> -> memref<4096xf32, #tpu.memory_space<hbm>>
      %dma_wait3A_289 = tpu.memref_slice %arg3[%add3A_162] : memref<39845888xf32, #tpu.memory_space<hbm>> -> memref<4096xf32, #tpu.memory_space<hbm>>
      %dma_wait3A_290 = arith.constant 53248 : i32
      %dma_wait3A_291 = tpu.memref_slice %arg5[%dma_wait3A_290] : memref<77824xf32, #tpu.memory_space<vmem>> -> memref<4096xf32, #tpu.memory_space<vmem>>
      tpu.wait_dma2 semaphore(%arg6 : memref<!tpu.dma_semaphore, #tpu.memory_space<semaphore_mem>>) src(%dma_wait3A_291 : memref<4096xf32, #tpu.memory_space<vmem>>) dst(%dma_wait3A_289 : memref<4096xf32, #tpu.memory_space<hbm>>)
      %dma_wait3A_292 = arith.constant 57344 : i32
      %dma_wait3A_293 = tpu.memref_slice %arg5[%dma_wait3A_292] : memref<77824xf32, #tpu.memory_space<vmem>> -> memref<4096xf32, #tpu.memory_space<vmem>>
      %dma_wait3A_294 = tpu.memref_slice %arg3[%add3A_170] : memref<39845888xf32, #tpu.memory_space<hbm>> -> memref<4096xf32, #tpu.memory_space<hbm>>
      %dma_wait3A_295 = tpu.memref_slice %arg3[%add3A_170] : memref<39845888xf32, #tpu.memory_space<hbm>> -> memref<4096xf32, #tpu.memory_space<hbm>>
      %dma_wait3A_296 = arith.constant 57344 : i32
      %dma_wait3A_297 = tpu.memref_slice %arg5[%dma_wait3A_296] : memref<77824xf32, #tpu.memory_space<vmem>> -> memref<4096xf32, #tpu.memory_space<vmem>>
      tpu.wait_dma2 semaphore(%arg6 : memref<!tpu.dma_semaphore, #tpu.memory_space<semaphore_mem>>) src(%dma_wait3A_297 : memref<4096xf32, #tpu.memory_space<vmem>>) dst(%dma_wait3A_295 : memref<4096xf32, #tpu.memory_space<hbm>>)
      %dma_wait3A_298 = arith.constant 61440 : i32
      %dma_wait3A_299 = tpu.memref_slice %arg5[%dma_wait3A_298] : memref<77824xf32, #tpu.memory_space<vmem>> -> memref<4096xf32, #tpu.memory_space<vmem>>
      %dma_wait3A_300 = tpu.memref_slice %arg3[%add3A_178] : memref<39845888xf32, #tpu.memory_space<hbm>> -> memref<4096xf32, #tpu.memory_space<hbm>>
      %dma_wait3A_301 = tpu.memref_slice %arg3[%add3A_178] : memref<39845888xf32, #tpu.memory_space<hbm>> -> memref<4096xf32, #tpu.memory_space<hbm>>
      %dma_wait3A_302 = arith.constant 61440 : i32
      %dma_wait3A_303 = tpu.memref_slice %arg5[%dma_wait3A_302] : memref<77824xf32, #tpu.memory_space<vmem>> -> memref<4096xf32, #tpu.memory_space<vmem>>
      tpu.wait_dma2 semaphore(%arg6 : memref<!tpu.dma_semaphore, #tpu.memory_space<semaphore_mem>>) src(%dma_wait3A_303 : memref<4096xf32, #tpu.memory_space<vmem>>) dst(%dma_wait3A_301 : memref<4096xf32, #tpu.memory_space<hbm>>)
      %dma_wait3A_304 = arith.constant 65536 : i32
      %dma_wait3A_305 = tpu.memref_slice %arg5[%dma_wait3A_304] : memref<77824xf32, #tpu.memory_space<vmem>> -> memref<4096xf32, #tpu.memory_space<vmem>>
      %dma_wait3A_306 = tpu.memref_slice %arg3[%add3A_186] : memref<39845888xf32, #tpu.memory_space<hbm>> -> memref<4096xf32, #tpu.memory_space<hbm>>
      %dma_wait3A_307 = tpu.memref_slice %arg3[%add3A_186] : memref<39845888xf32, #tpu.memory_space<hbm>> -> memref<4096xf32, #tpu.memory_space<hbm>>
      %dma_wait3A_308 = arith.constant 65536 : i32
      %dma_wait3A_309 = tpu.memref_slice %arg5[%dma_wait3A_308] : memref<77824xf32, #tpu.memory_space<vmem>> -> memref<4096xf32, #tpu.memory_space<vmem>>
      tpu.wait_dma2 semaphore(%arg6 : memref<!tpu.dma_semaphore, #tpu.memory_space<semaphore_mem>>) src(%dma_wait3A_309 : memref<4096xf32, #tpu.memory_space<vmem>>) dst(%dma_wait3A_307 : memref<4096xf32, #tpu.memory_space<hbm>>)
      %dma_wait3A_310 = arith.constant 69632 : i32
      %dma_wait3A_311 = tpu.memref_slice %arg5[%dma_wait3A_310] : memref<77824xf32, #tpu.memory_space<vmem>> -> memref<4096xf32, #tpu.memory_space<vmem>>
      %dma_wait3A_312 = tpu.memref_slice %arg3[%add3A_194] : memref<39845888xf32, #tpu.memory_space<hbm>> -> memref<4096xf32, #tpu.memory_space<hbm>>
      %dma_wait3A_313 = tpu.memref_slice %arg3[%add3A_194] : memref<39845888xf32, #tpu.memory_space<hbm>> -> memref<4096xf32, #tpu.memory_space<hbm>>
      %dma_wait3A_314 = arith.constant 69632 : i32
      %dma_wait3A_315 = tpu.memref_slice %arg5[%dma_wait3A_314] : memref<77824xf32, #tpu.memory_space<vmem>> -> memref<4096xf32, #tpu.memory_space<vmem>>
      tpu.wait_dma2 semaphore(%arg6 : memref<!tpu.dma_semaphore, #tpu.memory_space<semaphore_mem>>) src(%dma_wait3A_315 : memref<4096xf32, #tpu.memory_space<vmem>>) dst(%dma_wait3A_313 : memref<4096xf32, #tpu.memory_space<hbm>>)
      %dma_wait3A_316 = arith.constant 73728 : i32
      %dma_wait3A_317 = tpu.memref_slice %arg5[%dma_wait3A_316] : memref<77824xf32, #tpu.memory_space<vmem>> -> memref<4096xf32, #tpu.memory_space<vmem>>
      %dma_wait3A_318 = tpu.memref_slice %arg3[%add3A_202] : memref<39845888xf32, #tpu.memory_space<hbm>> -> memref<4096xf32, #tpu.memory_space<hbm>>
      %dma_wait3A_319 = tpu.memref_slice %arg3[%add3A_202] : memref<39845888xf32, #tpu.memory_space<hbm>> -> memref<4096xf32, #tpu.memory_space<hbm>>
      %dma_wait3A_320 = arith.constant 73728 : i32
      %dma_wait3A_321 = tpu.memref_slice %arg5[%dma_wait3A_320] : memref<77824xf32, #tpu.memory_space<vmem>> -> memref<4096xf32, #tpu.memory_space<vmem>>
      tpu.wait_dma2 semaphore(%arg6 : memref<!tpu.dma_semaphore, #tpu.memory_space<semaphore_mem>>) src(%dma_wait3A_321 : memref<4096xf32, #tpu.memory_space<vmem>>) dst(%dma_wait3A_319 : memref<4096xf32, #tpu.memory_space<hbm>>)
      %scan3A_322 = arith.constant 0 : i32
      %scan3A_323 = arith.constant 0 : i32
      %scan3A_324 = arith.constant 32 : i32
      %scan3A_325 = arith.addi %scan3A_323, %scan3A_324 : i32
      %scan3A_326 = arith.constant 1 : i32
      %scan3A_327 = scf.for %scan3A_330 = %scan3A_323 to %scan3A_325 step %scan3A_326 iter_args(%scan3A_331 = %scan3A_322) -> (i32)  : i32 {
        %mul3A_332 = arith.constant 8 : i32
        %mul3A_333 = arith.muli %scan3A_330, %mul3A_332 : i32
        %add3A_334 = arith.constant 0 : i32
        %add3A_335 = arith.addi %mul3A_333, %add3A_334 : i32
        %mul3A_336 = arith.constant 16 : i32
        %mul3A_337 = arith.muli %add3A_335, %mul3A_336 : i32
        %get3A = arith.index_cast %mul3A_337 : i32 to index
        %get3A_338 = tpu.vector_load %arg4[%get3A] {strides = array<i32>} : memref<4096xi32, #tpu.memory_space<vmem>>, vector<16xi32>,
        %mul3A_339 = arith.constant 4096 : i32
        %mul3A_340 = vector.broadcast %mul3A_339 : i32 to vector<16xi32>
        %mul3A_341 = arith.muli %get3A_338, %mul3A_340 : vector<16xi32>
        %mul3A_342 = arith.constant 16 : i32
        %mul3A_343 = arith.muli %add3A_335, %mul3A_342 : i32
        %add3A_344 = vector.broadcast %mul3A_343 : i32 to vector<16xi32>
        %add3A_345 = arith.addi %iota3A, %add3A_344 : vector<16xi32>
        %add3A_346 = arith.addi %mul3A_341, %add3A_345 : vector<16xi32>
        tpu.vector_store_idx %arg5[%add3A_346], %broadcast_in_dim3A_24 : memref<77824xf32, #tpu.memory_space<vmem>>[vector<16xi32>], vector<16xf32>,
        %mul3A_347 = arith.constant 8 : i32
        %mul3A_348 = arith.muli %scan3A_330, %mul3A_347 : i32
        %add3A_349 = arith.constant 1 : i32
        %add3A_350 = arith.addi %mul3A_348, %add3A_349 : i32
        %mul3A_351 = arith.constant 16 : i32
        %mul3A_352 = arith.muli %add3A_350, %mul3A_351 : i32
        %get3A_353 = arith.index_cast %mul3A_352 : i32 to index
        %get3A_354 = tpu.vector_load %arg4[%get3A_353] {strides = array<i32>} : memref<4096xi32, #tpu.memory_space<vmem>>, vector<16xi32>,
        %mul3A_355 = arith.constant 4096 : i32
        %mul3A_356 = vector.broadcast %mul3A_355 : i32 to vector<16xi32>
        %mul3A_357 = arith.muli %get3A_354, %mul3A_356 : vector<16xi32>
        %mul3A_358 = arith.constant 16 : i32
        %mul3A_359 = arith.muli %add3A_350, %mul3A_358 : i32
        %add3A_360 = vector.broadcast %mul3A_359 : i32 to vector<16xi32>
        %add3A_361 = arith.addi %iota3A, %add3A_360 : vector<16xi32>
        %add3A_362 = arith.addi %mul3A_357, %add3A_361 : vector<16xi32>
        tpu.vector_store_idx %arg5[%add3A_362], %broadcast_in_dim3A_24 : memref<77824xf32, #tpu.memory_space<vmem>>[vector<16xi32>], vector<16xf32>,
        %mul3A_363 = arith.constant 8 : i32
        %mul3A_364 = arith.muli %scan3A_330, %mul3A_363 : i32
        %add3A_365 = arith.constant 2 : i32
        %add3A_366 = arith.addi %mul3A_364, %add3A_365 : i32
        %mul3A_367 = arith.constant 16 : i32
        %mul3A_368 = arith.muli %add3A_366, %mul3A_367 : i32
        %get3A_369 = arith.index_cast %mul3A_368 : i32 to index
        %get3A_370 = tpu.vector_load %arg4[%get3A_369] {strides = array<i32>} : memref<4096xi32, #tpu.memory_space<vmem>>, vector<16xi32>,
        %mul3A_371 = arith.constant 4096 : i32
        %mul3A_372 = vector.broadcast %mul3A_371 : i32 to vector<16xi32>
        %mul3A_373 = arith.muli %get3A_370, %mul3A_372 : vector<16xi32>
        %mul3A_374 = arith.constant 16 : i32
        %mul3A_375 = arith.muli %add3A_366, %mul3A_374 : i32
        %add3A_376 = vector.broadcast %mul3A_375 : i32 to vector<16xi32>
        %add3A_377 = arith.addi %iota3A, %add3A_376 : vector<16xi32>
        %add3A_378 = arith.addi %mul3A_373, %add3A_377 : vector<16xi32>
        tpu.vector_store_idx %arg5[%add3A_378], %broadcast_in_dim3A_24 : memref<77824xf32, #tpu.memory_space<vmem>>[vector<16xi32>], vector<16xf32>,
        %mul3A_379 = arith.constant 8 : i32
        %mul3A_380 = arith.muli %scan3A_330, %mul3A_379 : i32
        %add3A_381 = arith.constant 3 : i32
        %add3A_382 = arith.addi %mul3A_380, %add3A_381 : i32
        %mul3A_383 = arith.constant 16 : i32
        %mul3A_384 = arith.muli %add3A_382, %mul3A_383 : i32
        %get3A_385 = arith.index_cast %mul3A_384 : i32 to index
        %get3A_386 = tpu.vector_load %arg4[%get3A_385] {strides = array<i32>} : memref<4096xi32, #tpu.memory_space<vmem>>, vector<16xi32>,
        %mul3A_387 = arith.constant 4096 : i32
        %mul3A_388 = vector.broadcast %mul3A_387 : i32 to vector<16xi32>
        %mul3A_389 = arith.muli %get3A_386, %mul3A_388 : vector<16xi32>
        %mul3A_390 = arith.constant 16 : i32
        %mul3A_391 = arith.muli %add3A_382, %mul3A_390 : i32
        %add3A_392 = vector.broadcast %mul3A_391 : i32 to vector<16xi32>
        %add3A_393 = arith.addi %iota3A, %add3A_392 : vector<16xi32>
        %add3A_394 = arith.addi %mul3A_389, %add3A_393 : vector<16xi32>
        tpu.vector_store_idx %arg5[%add3A_394], %broadcast_in_dim3A_24 : memref<77824xf32, #tpu.memory_space<vmem>>[vector<16xi32>], vector<16xf32>,
        %mul3A_395 = arith.constant 8 : i32
        %mul3A_396 = arith.muli %scan3A_330, %mul3A_395 : i32
        %add3A_397 = arith.constant 4 : i32
        %add3A_398 = arith.addi %mul3A_396, %add3A_397 : i32
        %mul3A_399 = arith.constant 16 : i32
        %mul3A_400 = arith.muli %add3A_398, %mul3A_399 : i32
        %get3A_401 = arith.index_cast %mul3A_400 : i32 to index
        %get3A_402 = tpu.vector_load %arg4[%get3A_401] {strides = array<i32>} : memref<4096xi32, #tpu.memory_space<vmem>>, vector<16xi32>,
        %mul3A_403 = arith.constant 4096 : i32
        %mul3A_404 = vector.broadcast %mul3A_403 : i32 to vector<16xi32>
        %mul3A_405 = arith.muli %get3A_402, %mul3A_404 : vector<16xi32>
        %mul3A_406 = arith.constant 16 : i32
        %mul3A_407 = arith.muli %add3A_398, %mul3A_406 : i32
        %add3A_408 = vector.broadcast %mul3A_407 : i32 to vector<16xi32>
        %add3A_409 = arith.addi %iota3A, %add3A_408 : vector<16xi32>
        %add3A_410 = arith.addi %mul3A_405, %add3A_409 : vector<16xi32>
        tpu.vector_store_idx %arg5[%add3A_410], %broadcast_in_dim3A_24 : memref<77824xf32, #tpu.memory_space<vmem>>[vector<16xi32>], vector<16xf32>,
        %mul3A_411 = arith.constant 8 : i32
        %mul3A_412 = arith.muli %scan3A_330, %mul3A_411 : i32
        %add3A_413 = arith.constant 5 : i32
        %add3A_414 = arith.addi %mul3A_412, %add3A_413 : i32
        %mul3A_415 = arith.constant 16 : i32
        %mul3A_416 = arith.muli %add3A_414, %mul3A_415 : i32
        %get3A_417 = arith.index_cast %mul3A_416 : i32 to index
        %get3A_418 = tpu.vector_load %arg4[%get3A_417] {strides = array<i32>} : memref<4096xi32, #tpu.memory_space<vmem>>, vector<16xi32>,
        %mul3A_419 = arith.constant 4096 : i32
        %mul3A_420 = vector.broadcast %mul3A_419 : i32 to vector<16xi32>
        %mul3A_421 = arith.muli %get3A_418, %mul3A_420 : vector<16xi32>
        %mul3A_422 = arith.constant 16 : i32
        %mul3A_423 = arith.muli %add3A_414, %mul3A_422 : i32
        %add3A_424 = vector.broadcast %mul3A_423 : i32 to vector<16xi32>
        %add3A_425 = arith.addi %iota3A, %add3A_424 : vector<16xi32>
        %add3A_426 = arith.addi %mul3A_421, %add3A_425 : vector<16xi32>
        tpu.vector_store_idx %arg5[%add3A_426], %broadcast_in_dim3A_24 : memref<77824xf32, #tpu.memory_space<vmem>>[vector<16xi32>], vector<16xf32>,
        %mul3A_427 = arith.constant 8 : i32
        %mul3A_428 = arith.muli %scan3A_330, %mul3A_427 : i32
        %add3A_429 = arith.constant 6 : i32
        %add3A_430 = arith.addi %mul3A_428, %add3A_429 : i32
        %mul3A_431 = arith.constant 16 : i32
        %mul3A_432 = arith.muli %add3A_430, %mul3A_431 : i32
        %get3A_433 = arith.index_cast %mul3A_432 : i32 to index
        %get3A_434 = tpu.vector_load %arg4[%get3A_433] {strides = array<i32>} : memref<4096xi32, #tpu.memory_space<vmem>>, vector<16xi32>,
        %mul3A_435 = arith.constant 4096 : i32
        %mul3A_436 = vector.broadcast %mul3A_435 : i32 to vector<16xi32>
        %mul3A_437 = arith.muli %get3A_434, %mul3A_436 : vector<16xi32>
        %mul3A_438 = arith.constant 16 : i32
        %mul3A_439 = arith.muli %add3A_430, %mul3A_438 : i32
        %add3A_440 = vector.broadcast %mul3A_439 : i32 to vector<16xi32>
        %add3A_441 = arith.addi %iota3A, %add3A_440 : vector<16xi32>
        %add3A_442 = arith.addi %mul3A_437, %add3A_441 : vector<16xi32>
        tpu.vector_store_idx %arg5[%add3A_442], %broadcast_in_dim3A_24 : memref<77824xf32, #tpu.memory_space<vmem>>[vector<16xi32>], vector<16xf32>,
        %mul3A_443 = arith.constant 8 : i32
        %mul3A_444 = arith.muli %scan3A_330, %mul3A_443 : i32
        %add3A_445 = arith.constant 7 : i32
        %add3A_446 = arith.addi %mul3A_444, %add3A_445 : i32
        %mul3A_447 = arith.constant 16 : i32
        %mul3A_448 = arith.muli %add3A_446, %mul3A_447 : i32
        %get3A_449 = arith.index_cast %mul3A_448 : i32 to index
        %get3A_450 = tpu.vector_load %arg4[%get3A_449] {strides = array<i32>} : memref<4096xi32, #tpu.memory_space<vmem>>, vector<16xi32>,
        %mul3A_451 = arith.constant 4096 : i32
        %mul3A_452 = vector.broadcast %mul3A_451 : i32 to vector<16xi32>
        %mul3A_453 = arith.muli %get3A_450, %mul3A_452 : vector<16xi32>
        %mul3A_454 = arith.constant 16 : i32
        %mul3A_455 = arith.muli %add3A_446, %mul3A_454 : i32
        %add3A_456 = vector.broadcast %mul3A_455 : i32 to vector<16xi32>
        %add3A_457 = arith.addi %iota3A, %add3A_456 : vector<16xi32>
        %add3A_458 = arith.addi %mul3A_453, %add3A_457 : vector<16xi32>
        tpu.vector_store_idx %arg5[%add3A_458], %broadcast_in_dim3A_24 : memref<77824xf32, #tpu.memory_space<vmem>>[vector<16xi32>], vector<16xf32>,
        %scan3A_459 = arith.constant 0 : i32
        scf.yield %scan3A_459 : i32
      }
      %scan3A_328 = arith.constant 32 : i32
      %scan3A_329 = arith.constant 0 : i32
      scf.yield %scan3A_329 : i32
    }
    %scan3A_37 = arith.constant 16 : i32
    return
  }
}

</mosaic_0001>

<sc_bundles>
// kernel: kernel.3.cloned.1.call-start
scs
__scs_entry_jumppad:
0x0: {  	(pc) =	sbr.rel $0x88, $3  }
0x1: {  	(tag) =	ssettag $0x0;
	lr =	simm.s32 $0x1  }
0x2: {  	[smem:$0x3FA0] =	sst lr;
	_ =	strace $0xD0000000  }
0x3: {  	_ = 	snop  }
0x4: {  	_ = 	snop  }
0x5: {  	_ = 	snop  }
0x6: {  	_ = 	snop  }
0x7: {  	_ = 	snop  }
__scs_overlays_trampoline_lowered:
0x8: {  	[smem:$0x3FAF] =	sst s0  }
0x9: {  	[smem:$0x3FB0] =	sst s1  }
0xa: {  	[smem:$0x3FB1] =	sst s2  }
0xb: {  	[smem:$0x3FB2] =	sst s3  }
0xc: {  	[smem:$0x3FB3] =	sst s4  }
0xd: {  	[smem:$0x3FB4] =	sst s5  }
0xe: {  	[smem:$0x3FB5] =	sst s6  }
0xf: {  	[smem:$0x3FB6] =	sst s7  }
0x10: {  	[smem:$0x3FB7] =	sst s8  }
0x11: {  	[smem:$0x3FB8] =	sst s9;
	s0 =	simm.s32 @!p0 $0x0  }
0x12: {  	s1 =	sld [smem:$0x3F9E];
	s0 =	simm.s32 @p0 $0x1  }
0x13: {  	[smem:$0x3FB9] =	sst s0;
	s0 =	simm.s32 @!p1 $0x0  }
0x14: {  	s2 =	sld [smem:$0x3F9D];
	s0 =	simm.s32 @p1 $0x1  }
0x15: {  	[smem:$0x3FBA] =	sst s0;
	s0 =	simm.s32 @!p2 $0x0  }
0x16: {  	s3 =	sld [smem:$0x3FDB];
	s0 =	simm.s32 @p2 $0x1  }
0x17: {  	s4 =	simm.s32 $0x1BF5;
	[smem:$0x3FBC] =	sst s0  }
0x18: {  	s0 =	sld [smem:$0x3F9F];
	_ =	swait.ge [sflag:s4], $0x0  }
0x19: {  	s7 =	sld [smem:$0x3FA0]  }
0x1a: {  	s8 =	sadd.s32 $0xFFFFE003, lr  }
0x1b: {  	s9 =	sadd.s32 $0xFFFFFEF7, lr;
	s5 =	simm.s32 $0xFFFFFFFF;
	p2 =	slt.u32 s8, $0xFFFFF086  }
0x1c: {  	p1 =	slt.u32 s9, $0xF7A;
	s5 =	simm.s32 @!p2 $0x0  }
0x1d: {  	s5 =	simm.s32 @p1 $0x1;
	p0 =	seq.s32 s7, s2  }
0x1e: {  	s7 =	smul.u32 @!p0 $0xF7A, s2;
	p2 =	seq.s32 @!p0 s5, $0x0  }
0x1f: {  	s9 =	smul.u32 $0xF7A, s1;
	s8 =	simm.s32 @!p0 $0x1BF5;
	p2 =	por !p2, p0  }
0x20: {  	[sflag:s8] =	ssyncset.s32 @!p0 $0xFFFFF086;
	s6 =	sadd.s32 @!p0 s3, s7;
	s7 =	simm.s32 @!p0 $0x108  }
0x21: {  	s3 =	sadd.s32 s3, s9;
	s6 =	sadd.s32 @!p0 $0x88, s6;
	s7 =	simm.s32 @p2 $0x1082  }
0x22: {  	[simem:s7], [sflag:s8] =	dma.local @!p0 [hbm:s6], $0xF7A  }
0x23: {  	s9 =	sor.u32 $0xD0000000, s2;
	s6 =	simm.s32 $0x108;
	_ =	swait.ge @!p0 [sflag:s8], $0x0  }
0x24: {  	s3 =	sadd.s32 $0x88, s3;
	s6 =	simm.s32 @!p1 $0x1082;
	[sflag:s4] =	ssyncset.s32 $0xFFFFF086  }
0x25: {  	[simem:s6], [sflag:s4] =	dma.local [hbm:s3], $0xF7A  }
0x26: {  	[smem:$0x3FA0] =	sst s1;
	(tag) =	ssettag s2;
	_ =	strace s9  }
0x27: {  	s1 =	sld [smem:$0x3FB0]  }
0x28: {  	s2 =	sld [smem:$0x3FB1]  }
0x29: {  	s4 =	sld [smem:$0x3FB3]  }
0x2a: {  	p0 =	seq.s32 s5, $0x0;
	s5 =	sld [smem:$0x3FB4]  }
0x2b: {  	s6 =	sld [smem:$0x3FB5]  }
0x2c: {  	s7 =	sld [smem:$0x3FB6]  }
0x2d: {  	s3 =	simm.s32 $0x108;
	s8 =	sld [smem:$0x3FB7]  }
0x2e: {  	s3 =	simm.s32 @!p0 $0x1082;
	s9 =	sld [smem:$0x3FB8]  }
0x2f: {  	lr =	sadd.s32 s0, s3;
	s0 =	sld [smem:$0x3FAF]  }
0x30: {  	s3 =	sld [smem:$0x3FB2]  }
0x31: {  	[smem:$0x3FBB] =	sst s10  }
0x32: {  	s10 =	sld [smem:$0x3FB9];
	_ =	sdelay $0x3  }
0x33: {  	p0 =	seq.s32 s10, $0x1;
	s10 =	sld [smem:$0x3FBB];
	_ =	sdelay $0x3  }
0x34: {  	[smem:$0x3FBB] =	sst s10  }
0x35: {  	s10 =	sld [smem:$0x3FBA];
	_ =	sdelay $0x3  }
0x36: {  	p1 =	seq.s32 s10, $0x1;
	s10 =	sld [smem:$0x3FBB];
	_ =	sdelay $0x3  }
0x37: {  	[smem:$0x3FBB] =	sst s10  }
0x38: {  	s10 =	sld [smem:$0x3FBC]  }
0x39: {  	_ = 	snop;
	(pc) =	sbr.ind lr, $3  }
0x3a: {  	_ = 	snop  }
0x3b: {  	_ = 	snop  }
0x3c: {  	p2 =	seq.s32 s10, $0x1;
	s10 =	sld [smem:$0x3FBB]  }
0x3d: {  	_ =	shalt  }
0x3e: {  	_ =	shalt  }
0x3f: {  	_ =	shalt  }
0x40: {  	_ =	shalt  }
0x41: {  	_ =	shalt  }
0x42: {  	_ =	shalt  }
0x43: {  	_ =	shalt  }
0x44: {  	_ =	shalt  }
0x45: {  	_ =	shalt  }
0x46: {  	_ =	shalt  }
0x47: {  	_ =	shalt  }
0x48: {  	_ =	shalt  }
0x49: {  	_ =	shalt  }
0x4a: {  	_ =	shalt  }
0x4b: {  	_ =	shalt  }
0x4c: {  	_ =	shalt  }
0x4d: {  	_ =	shalt  }
0x4e: {  	_ =	shalt  }
0x4f: {  	_ =	shalt  }
0x50: {  	_ =	shalt  }
0x51: {  	_ =	shalt  }
0x52: {  	_ =	shalt  }
0x53: {  	_ =	shalt  }
0x54: {  	_ =	shalt  }
0x55: {  	_ =	shalt  }
0x56: {  	_ =	shalt  }
0x57: {  	_ =	shalt  }
0x58: {  	_ =	shalt  }
0x59: {  	_ =	shalt  }
0x5a: {  	_ =	shalt  }
0x5b: {  	_ =	shalt  }
0x5c: {  	_ =	shalt  }
0x5d: {  	_ =	shalt  }
0x5e: {  	_ =	shalt  }
0x5f: {  	_ =	shalt  }
0x60: {  	_ =	shalt  }
0x61: {  	_ =	shalt  }
0x62: {  	_ =	shalt  }
0x63: {  	_ =	shalt  }
0x64: {  	_ =	shalt  }
0x65: {  	_ =	shalt  }
0x66: {  	_ =	shalt  }
0x67: {  	_ =	shalt  }
0x68: {  	_ =	shalt  }
0x69: {  	_ =	shalt  }
0x6a: {  	_ =	shalt  }
0x6b: {  	_ =	shalt  }
0x6c: {  	_ =	shalt  }
0x6d: {  	_ =	shalt  }
0x6e: {  	_ =	shalt  }
0x6f: {  	_ =	shalt  }
0x70: {  	_ =	shalt  }
0x71: {  	_ =	shalt  }
0x72: {  	_ =	shalt  }
0x73: {  	_ =	shalt  }
0x74: {  	_ =	shalt  }
0x75: {  	_ =	shalt  }
0x76: {  	_ =	shalt  }
0x77: {  	_ =	shalt  }
0x78: {  	_ =	shalt  }
0x79: {  	_ =	shalt  }
0x7a: {  	_ =	shalt  }
0x7b: {  	_ =	shalt  }
0x7c: {  	_ =	shalt  }
0x7d: {  	_ =	shalt  }
0x7e: {  	_ =	shalt  }
0x7f: {  	_ =	shalt  }
0x80: {  	_ =	shalt  }
0x81: {  	_ =	shalt  }
0x82: {  	_ =	shalt  }
0x83: {  	_ =	shalt  }
0x84: {  	_ =	shalt  }
0x85: {  	_ =	shalt  }
0x86: {  	_ =	shalt  }
0x87: {  	_ =	shalt  }
.Lfunc_end0:
.L_simem_size_0:
called_computation_lowered:
.L_overlay_start_0:
0x88: {  	s2 =	sld [smem:$0x3FD9]  }
0x89: {  	s3 =	sld [smem:$0x3FFE];
	_ =	sdelay $0x1  }
0x8a: {  	s1 =	srdreg.scid  }
0x8b: {  	s0 =	sand.u32 $0x1, s1  }
0x8c: {  	s17 =	sshll.u32 s0, $0xA;
	s2 =	sadd.s32 s3, s2  }
0x8d: {  	s2 =	sadd.s32 s2, s17  }
0x8e: {  	[smem:$0x3FC7] =	sst s2  }
0x8f: {  	_ = 	snop  }
0x90: {  	s2 =	sld [smem:$0x3FD0];
	(tm) =	ssettm $0x1  }
0x91: {  	s18 =	sld [smem:$0x3FFB];
	_ =	sdelay $0x3  }
0x92: {  	_ =	strace s18  }
0x93: {  	s3 =	sld [smem:$0x3FFC];
	_ =	sdelay $0x3  }
0x94: {  	_ =	strace s3  }
0x95: {  	s3 =	sld [smem:$0x3FFD];
	_ =	sdelay $0x3  }
0x96: {  	_ =	strace s3  }
0x97: {  	_ =	strace $0x8FFFFFFF  }
0x98: {  	s19 =	sld [smem:$0x3FDB];
	_ =	sdelay $0x1  }
0x99: {  	s4 =	simm.s32 $_scs_section_size  }
0x9a: {  	s5 =	simm.s32 $_size__tile_overlayer_lowered;
	s6 =	simm.s32 $_tile_overlayer_lowered  }
0x9b: {  	s22 =	simm.s32 $0x1BFF;
	s21 =	sshll.u32 s6, $0x1;
	s3 =	sadd.s32 s4, s19  }
0x9c: {  	s7 =	simm.s32 $0x0;
	s20 =	sshll.u32 s5, $0x1;
	s5 =	sadd.s32 s21, s3  }
0x9d: {  	[timem:s7], [sflag:s22] =	dma.local [hbm:s5], s20  }
0x9e: {  	_ =	swait.ge [sflag:s22], s20  }
0x9f: {  	s4 =	ssub.s32 $0x0, s20;
	[sflag:s22] =	ssyncset.done $0x0  }
0xa0: {  	[sflag:s22] =	ssyncadd.s32 s4;
	_ =	sdelay $0x1  }
0xa1: {  	s23 =	simm.s32 $0x1B8B  }
0xa2: {  	_ =	swait.ge [sflag:s23], $0x1  }
0xa3: {  	[sflag:s23] =	ssyncset.done $0x0  }
0xa4: {  	s25 =	simm.s32 $0x1B8E;
	s24 =	sld [smem:$0x3FFE];
	[sflag:s23] =	ssyncadd.s32 $0xFFFFFFFF  }
0xa5: {  	s26 =	simm.s32 $execute0_lowered;
	[smem:$0x3FD2] =	sst s25  }
0xa6: {  	s5 =	sshll.u32 s26, $0x1;
	_ =	strace $0x80000046;
	[dreg:$0x1] =	wrdreg $0xFFFFFFFF  }
0xa7: {  	s28 =	simm.s32 $_size_execute0_lowered;
	s3 =	sadd.s32 s3, s5;
	[dreg:$0x0] =	wrdreg $0x0  }
0xa8: {  	s5 =	sshll.u32 s28, $0x1;
	[dreg:$0x2] =	wrdreg s3  }
0xa9: {  	[dreg:$0x3] =	wrdreg s5  }
0xaa: {  	[dreg:$0x4] =	wrdreg $0xC0  }
0xab: {  	_ =	task [dreg:s7], $0x5FFFF  }
0xac: {  	[dreg:$0x1] =	wrdreg $0xFFFFFFFF  }
0xad: {  	[dreg:$0x0] =	wrdreg $0x60  }
0xae: {  	[dreg:$0x2] =	wrdreg s2  }
0xaf: {  	[dreg:$0x3] =	wrdreg s24  }
0xb0: {  	[dreg:$0x4] =	wrdreg $0x9  }
0xb1: {  	_ =	task.clear_ibuf [dreg:s7], $0x5FFFF;
	_ =	strace $0x90000046  }
0xb2: {  	s29 =	simm.s32 $0x9;
	_ =	strace $0x80000048  }
0xb3: {  	_ =	swait.ge [sflag:s29], $0x1  }
0xb4: {  	[sflag:s29] =	ssyncadd.s32 $0xFFFFFFFF  }
0xb5: {  	_ =	strace $0x90000048  }
0xb6: {  	_ =	sfence  }
0xb7: {  	s30 =	sld [smem:$0x0];
	_ =	sdelay $0x2  }
0xb8: {  	s31 =	sshll.u32 s1, $0xD;
	s1 =	sshrl.u32 s1, $0x2  }
0xb9: {  	s3 =	sand.u32 $0x4000, s31;
	s1 =	sadd.s32 s1, s30  }
0xba: {  	s0 =	sor.u32 s3, s0;
	s1 =	sshll.u32 s1, $0x11  }
0xbb: {  	s0 =	sor.u32 s1, s0  }
0xbc: {  	s0 =	sadd.s32 $0x8F2B, s0  }
0xbd: {  	[sflag:s0] =	ssyncadd.remote.s32 $0x1  }
0xbe: {  	_ =	sfence.sel $0xFFFF  }
0xbf: {  	[dreg:$0x0] =	wrdreg $0xFFFFFFFF;
	(pc) =	sbr.abs _section_cstart, $3  }
0xc0: {  	[dreg:$0x1] =	wrdreg $0xFFFFFFFF  }
0xc1: {  	_ =	task.clear_ibuf [dreg:s7], $0x2FFFF;
	_ =	strace $0x9FFFFFFF  }
0xc2: {  	(tm) =	ssettm $0x7FFFFFFF  }
0xc3: {  	_ =	shalt  }
tec
execute0_lowered:
.L_overlay_start_1:
0x0: {  	(tag) =	ssettag $0x1  }
0x1: {  	s1 =	rddreg [dreg:$0x0]  }
0x2: {  	s0 =	rddreg [dreg:$0x1];
	s2 =	srdreg.scid  }
0x3: {  	s30 =	simm.s32 $0x0;
	s3 =	stileid.u32;
	s8 =	simm.s32 $0x2  }
0x4: {  	s9 =	simm.s32 $0x1000;
	s10 =	simm.s32 $0x2000;
	s11 =	simm.s32 $0x3000  }
0x5: {  	s12 =	simm.s32 $0x4000;
	s13 =	simm.s32 $0x5000;
	s14 =	simm.s32 $0x6000  }
0x6: {  	s15 =	simm.s32 $0x7000;
	s16 =	simm.s32 $0x8000;
	s17 =	simm.s32 $0x9000  }
0x7: {  	s18 =	simm.s32 $0xA000;
	s19 =	simm.s32 $0xB000;
	s20 =	simm.s32 $0xC000  }
0x8: {  	s21 =	simm.s32 $0xD000;
	s22 =	simm.s32 $0xE000;
	s23 =	simm.s32 $0xF000  }
0x9: {  	s24 =	simm.s32 $0x10000;
	s28 =	simm.s32 $0x13000;
	s29 =	simm.s32 $0x1  }
0xa: {  	s2 =	sand.u32 $0x1, s2;
	[smem:$0x7FF] =	sst s30;
	s4 =	sshll.u32 s3, $0x11  }
0xb: {  	s6 =	sshrl.u32 s3, $0x1;
	s5 =	ssub.s32 $0x2, s2;
	s2 =	sshll.u32 s2, $0x10  }
0xc: {  	v0 =	vimm.f32 $4.999999890e-03;
	s25 =	smul.u32 $0x4C0000, s6;
	s7 =	sshrl.u32 s5, $0x1;
	s4 =	sor.u32 s2, s4  }
0xd: {  	v1 =	vlaneseq.u32;
	v2 =	vimm.f32 $8.999999760e-01;
	_ =	strace $0x80000047;
	s7 =	ssub.s32 s5, s7;
	s26 =	sand.u32 $0x30000, s4  }
0xe: {  	v3 =	vor.u32 $0x10, v1;
	v4 =	vor.u32 $0x20, v1;
	v5 =	vor.u32 $0x30, v1;
	s5 =	sadd.s32 $0x400, s0;
	s6 =	sor.u32 s25, s26;
	s31 =	smax.u32 s7, $0x1  }
0xf: {  	v6 =	vor.u32 $0x40, v1;
	v7 =	vor.u32 $0x50, v1;
	v8 =	vor.u32 $0x60, v1;
	s25 =	simm.s32 $0x11000;
	s26 =	simm.s32 $0x12000;
	[dreg:$0x4] =	wrdreg s31  }
.LBB2_1:
0x10: {  	[dreg:$0x3] =	wrdreg s30;
	s0 =	simm.s32 $0x0;
	s2 =	simm.s32 $0x200  }
.LBB2_2:
0x11: {  	p0 =	sne.s32 s2, $0x4BE00;
	[tilespmem:s0+$0x1070] =	vst v0  }
0x12: {  	[tilespmem:s0+$0x1000] =	vst v0  }
0x13: {  	[tilespmem:s0+$0x1010] =	vst v0  }
.Ltmp0:
0x14: {  	[tilespmem:s0+$0x1020] =	vst v0;
	(pc) =	sbr.rel @p0 .LBB2_2-.Ltmp0, $4  }
0x15: {  	[tilespmem:s0+$0x1030] =	vst v0  }
0x16: {  	[tilespmem:s0+$0x1040] =	vst v0  }
0x17: {  	[tilespmem:s0+$0x1050] =	vst v0  }
0x18: {  	[tilespmem:s0+$0x1060] =	vst v0;
	s0 =	sshra.s32 s2, $0x2;
	s2 =	sadd.s32 $0x200, s2  }
0x19: {  	[tilespmem:s0+$0x1070] =	vst v0  }
0x1a: {  	[tilespmem:s0+$0x1000] =	vst v0  }
0x1b: {  	[tilespmem:s0+$0x1010] =	vst v0  }
0x1c: {  	[tilespmem:s0+$0x1020] =	vst v0  }
0x1d: {  	[tilespmem:s0+$0x1030] =	vst v0  }
0x1e: {  	[tilespmem:s0+$0x1040] =	vst v0  }
0x1f: {  	[tilespmem:s0+$0x1050] =	vst v0  }
0x20: {  	s30 =	simm.s32 $0x0;
	[tilespmem:s0+$0x1060] =	vst v0;
	s31 =	simm.s32 $0x0  }
.LBB2_4:
0x21: {  	s0 =	sshll.u32 s31, $0xC  }
0x22: {  	s2 =	sor.u32 s4, s0  }
0x23: {  	s2 =	sshrl.u32 s2, $0x3  }
0x24: {  	s2 =	sadd.s32 s1, s2  }
0x25: {  	[tilespmem:s30], [sflag:$0x2] =	stream.linear.gather [hbm4b:s2+s30], $0x1000, $0x38;
	[tilespmem:$0x14000] =	vst v63  }
0x26: {  	_ =	swait.ge [sflag:s8], $0x1000  }
0x27: {  	[sflag:s8] =	ssyncset.done $0x0  }
0x28: {  	s7 =	simm.s32 $0x0;
	s2 =	simm.s32 $0x40;
	[sflag:s8] =	ssyncadd.s32 $0xFFFFF000  }
.LBB2_5:
0x29: {  	v9 =	vld [tilespmem:s2+$0xFFFFFFC0];
	_ =	sdelay $0x4  }
0x2a: {  	v9 =	vshll.u32 v9, $0xC  }
0x2b: {  	v9 =	vadd.s32 s7, v9  }
0x2c: {  	v9 =	vor.u32 v1, v9;
	_ =	sdelay $0x4  }
0x2d: {  	[tilespmem:v9+s9+$0x0] =	vst.idx.msk $0xffff, v2  }
0x2e: {  	v9 =	vld [tilespmem:s2+$0xFFFFFFD0];
	_ =	sdelay $0x1  }
0x2f: {  	v10 =	vmov s7  }
0x30: {  	v10 =	vand.u32 $0xF80, v10  }
0x31: {  	v10 =	vbroadcast v10, $0x0  }
0x32: {  	v9 =	vshll.u32 v9, $0xC  }
0x33: {  	v9 =	vor.u32 v10, v9  }
0x34: {  	v9 =	vor.u32 v3, v9;
	_ =	sdelay $0x4  }
0x35: {  	[tilespmem:v9+s9+$0x0] =	vst.idx.msk $0xffff, v2  }
0x36: {  	v9 =	vld [tilespmem:s2+$0xFFFFFFE0];
	_ =	sdelay $0x4  }
0x37: {  	v9 =	vshll.u32 v9, $0xC  }
0x38: {  	v9 =	vor.u32 v10, v9  }
0x39: {  	v9 =	vor.u32 v4, v9;
	_ =	sdelay $0x4  }
0x3a: {  	[tilespmem:v9+s9+$0x0] =	vst.idx.msk $0xffff, v2  }
0x3b: {  	v9 =	vld [tilespmem:s2+$0xFFFFFFF0];
	_ =	sdelay $0x4  }
0x3c: {  	v9 =	vshll.u32 v9, $0xC  }
0x3d: {  	v9 =	vor.u32 v10, v9  }
0x3e: {  	v9 =	vor.u32 v5, v9;
	_ =	sdelay $0x4  }
0x3f: {  	[tilespmem:v9+s9+$0x0] =	vst.idx.msk $0xffff, v2  }
0x40: {  	v9 =	vld [tilespmem:s2+$0x0];
	_ =	sdelay $0x4  }
0x41: {  	v9 =	vshll.u32 v9, $0xC  }
0x42: {  	v9 =	vor.u32 v10, v9  }
0x43: {  	v9 =	vor.u32 v6, v9;
	_ =	sdelay $0x4  }
0x44: {  	[tilespmem:v9+s9+$0x0] =	vst.idx.msk $0xffff, v2  }
0x45: {  	v9 =	vld [tilespmem:s2+$0x10];
	_ =	sdelay $0x4  }
0x46: {  	v9 =	vshll.u32 v9, $0xC  }
0x47: {  	v9 =	vor.u32 v10, v9  }
0x48: {  	v9 =	vor.u32 v7, v9;
	_ =	sdelay $0x4  }
0x49: {  	[tilespmem:v9+s9+$0x0] =	vst.idx.msk $0xffff, v2  }
0x4a: {  	v9 =	vld [tilespmem:s2+$0x20];
	_ =	sdelay $0x4  }
0x4b: {  	v9 =	vshll.u32 v9, $0xC  }
0x4c: {  	v9 =	vor.u32 v10, v9  }
0x4d: {  	v9 =	vor.u32 v8, v9;
	_ =	sdelay $0x4  }
0x4e: {  	[tilespmem:v9+s9+$0x0] =	vst.idx.msk $0xffff, v2  }
0x4f: {  	v9 =	vld [tilespmem:s2+$0x30];
	_ =	sdelay $0x4  }
0x50: {  	s3 =	sadd.s32 $0x70, s7;
	v9 =	vshll.u32 v9, $0xC  }
0x51: {  	v9 =	vadd.s32 s3, v9  }
0x52: {  	p0 =	sne.s32 s7, $0xF80;
	v9 =	vadd.s32 v1, v9  }
.Ltmp1:
0x53: {  	_ = 	snop;
	(pc) =	sbr.rel @p0 .LBB2_5-.Ltmp1, $2  }
0x54: {  	_ =	sdelay $0x2  }
0x55: {  	s7 =	sadd.s32 $0x80, s7;
	s2 =	sadd.s32 $0x80, s2;
	[tilespmem:v9+s9+$0x0] =	vst.idx.msk $0xffff, v2  }
0x56: {  	s0 =	sadd.s32 s6, s0  }
0x57: {  	s0 =	sshrl.u32 s0, $0x3  }
0x58: {  	s2 =	sadd.s32 s5, s0;
	s0 =	simm.s32 $0x0  }
0x59: {  	[hbm4b:s2+s0] =	stream.linear.scatter [tilespmem:s9], [sflag:$0x1], $0x1000, $0x38;
	[tilespmem:$0x14000] =	vst v63  }
0x5a: {  	s3 =	sadd.s32 $0x8000, s2  }
0x5b: {  	[hbm4b:s3+s0] =	stream.linear.scatter [tilespmem:s10], [sflag:$0x1], $0x1000, $0x38;
	[tilespmem:$0x14000] =	vst v63  }
0x5c: {  	s7 =	sadd.s32 $0x10000, s2  }
0x5d: {  	[hbm4b:s7+s0] =	stream.linear.scatter [tilespmem:s11], [sflag:$0x1], $0x1000, $0x38;
	[tilespmem:$0x14000] =	vst v63  }
0x5e: {  	s7 =	sadd.s32 $0x18000, s2  }
0x5f: {  	[hbm4b:s7+s0] =	stream.linear.scatter [tilespmem:s12], [sflag:$0x1], $0x1000, $0x38;
	[tilespmem:$0x14000] =	vst v63  }
0x60: {  	s7 =	sadd.s32 $0x20000, s2  }
0x61: {  	[hbm4b:s7+s0] =	stream.linear.scatter [tilespmem:s13], [sflag:$0x1], $0x1000, $0x38;
	[tilespmem:$0x14000] =	vst v63  }
0x62: {  	s7 =	sadd.s32 $0x28000, s2  }
0x63: {  	[hbm4b:s7+s0] =	stream.linear.scatter [tilespmem:s14], [sflag:$0x1], $0x1000, $0x38;
	[tilespmem:$0x14000] =	vst v63  }
0x64: {  	s7 =	sadd.s32 $0x30000, s2  }
0x65: {  	[hbm4b:s7+s0] =	stream.linear.scatter [tilespmem:s15], [sflag:$0x1], $0x1000, $0x38;
	[tilespmem:$0x14000] =	vst v63  }
0x66: {  	s7 =	sadd.s32 $0x38000, s2  }
0x67: {  	[hbm4b:s7+s0] =	stream.linear.scatter [tilespmem:s16], [sflag:$0x1], $0x1000, $0x38;
	[tilespmem:$0x14000] =	vst v63  }
0x68: {  	s7 =	sadd.s32 $0x40000, s2  }
0x69: {  	[hbm4b:s7+s0] =	stream.linear.scatter [tilespmem:s17], [sflag:$0x1], $0x1000, $0x38;
	[tilespmem:$0x14000] =	vst v63  }
0x6a: {  	s7 =	sadd.s32 $0x48000, s2  }
0x6b: {  	[hbm4b:s7+s0] =	stream.linear.scatter [tilespmem:s18], [sflag:$0x1], $0x1000, $0x38;
	[tilespmem:$0x14000] =	vst v63  }
0x6c: {  	s7 =	sadd.s32 $0x50000, s2  }
0x6d: {  	[hbm4b:s7+s0] =	stream.linear.scatter [tilespmem:s19], [sflag:$0x1], $0x1000, $0x38;
	[tilespmem:$0x14000] =	vst v63  }
0x6e: {  	s7 =	sadd.s32 $0x58000, s2  }
0x6f: {  	[hbm4b:s7+s0] =	stream.linear.scatter [tilespmem:s20], [sflag:$0x1], $0x1000, $0x38;
	[tilespmem:$0x14000] =	vst v63  }
0x70: {  	s7 =	sadd.s32 $0x60000, s2  }
0x71: {  	[hbm4b:s7+s0] =	stream.linear.scatter [tilespmem:s21], [sflag:$0x1], $0x1000, $0x38;
	[tilespmem:$0x14000] =	vst v63  }
0x72: {  	s7 =	sadd.s32 $0x68000, s2  }
0x73: {  	[hbm4b:s7+s0] =	stream.linear.scatter [tilespmem:s22], [sflag:$0x1], $0x1000, $0x38;
	[tilespmem:$0x14000] =	vst v63  }
0x74: {  	s7 =	sadd.s32 $0x70000, s2  }
0x75: {  	[hbm4b:s7+s0] =	stream.linear.scatter [tilespmem:s23], [sflag:$0x1], $0x1000, $0x38;
	[tilespmem:$0x14000] =	vst v63  }
0x76: {  	s7 =	sadd.s32 $0x78000, s2  }
0x77: {  	[hbm4b:s7+s0] =	stream.linear.scatter [tilespmem:s24], [sflag:$0x1], $0x1000, $0x38;
	[tilespmem:$0x14000] =	vst v63  }
0x78: {  	s7 =	sadd.s32 $0x80000, s2  }
0x79: {  	[hbm4b:s7+s0] =	stream.linear.scatter [tilespmem:s25], [sflag:$0x1], $0x1000, $0x38;
	[tilespmem:$0x14000] =	vst v63  }
0x7a: {  	s7 =	sadd.s32 $0x88000, s2  }
0x7b: {  	[hbm4b:s7+s0] =	stream.linear.scatter [tilespmem:s26], [sflag:$0x1], $0x1000, $0x38;
	[tilespmem:$0x14000] =	vst v63  }
0x7c: {  	s2 =	sadd.s32 $0x90000, s2  }
0x7d: {  	[hbm4b:s2+s0] =	stream.linear.scatter [tilespmem:s28], [sflag:$0x1], $0x1000, $0x38;
	[tilespmem:$0x14000] =	vst v63  }
0x7e: {  	_ =	swait.ge [sflag:s29], $0x1000  }
0x7f: {  	[sflag:s29] =	ssyncset.done $0x0  }
0x80: {  	[sflag:s29] =	ssyncadd.s32 $0xFFFFF000  }
0x81: {  	_ =	swait.ge [sflag:s29], $0x1000  }
0x82: {  	[sflag:s29] =	ssyncset.done $0x0  }
0x83: {  	[sflag:s29] =	ssyncadd.s32 $0xFFFFF000  }
0x84: {  	_ =	swait.ge [sflag:s29], $0x1000  }
0x85: {  	[sflag:s29] =	ssyncset.done $0x0  }
0x86: {  	[sflag:s29] =	ssyncadd.s32 $0xFFFFF000  }
0x87: {  	_ =	swait.ge [sflag:s29], $0x1000  }
0x88: {  	[sflag:s29] =	ssyncset.done $0x0  }
0x89: {  	[sflag:s29] =	ssyncadd.s32 $0xFFFFF000  }
0x8a: {  	_ =	swait.ge [sflag:s29], $0x1000  }
0x8b: {  	[sflag:s29] =	ssyncset.done $0x0  }
0x8c: {  	[sflag:s29] =	ssyncadd.s32 $0xFFFFF000  }
0x8d: {  	_ =	swait.ge [sflag:s29], $0x1000  }
0x8e: {  	[sflag:s29] =	ssyncset.done $0x0  }
0x8f: {  	[sflag:s29] =	ssyncadd.s32 $0xFFFFF000  }
0x90: {  	_ =	swait.ge [sflag:s29], $0x1000  }
0x91: {  	[sflag:s29] =	ssyncset.done $0x0  }
0x92: {  	[sflag:s29] =	ssyncadd.s32 $0xFFFFF000  }
0x93: {  	_ =	swait.ge [sflag:s29], $0x1000  }
0x94: {  	[sflag:s29] =	ssyncset.done $0x0  }
0x95: {  	[sflag:s29] =	ssyncadd.s32 $0xFFFFF000  }
0x96: {  	_ =	swait.ge [sflag:s29], $0x1000  }
0x97: {  	[sflag:s29] =	ssyncset.done $0x0  }
0x98: {  	[sflag:s29] =	ssyncadd.s32 $0xFFFFF000  }
0x99: {  	_ =	swait.ge [sflag:s29], $0x1000  }
0x9a: {  	[sflag:s29] =	ssyncset.done $0x0  }
0x9b: {  	[sflag:s29] =	ssyncadd.s32 $0xFFFFF000  }
0x9c: {  	_ =	swait.ge [sflag:s29], $0x1000  }
0x9d: {  	[sflag:s29] =	ssyncset.done $0x0  }
0x9e: {  	[sflag:s29] =	ssyncadd.s32 $0xFFFFF000  }
0x9f: {  	_ =	swait.ge [sflag:s29], $0x1000  }
0xa0: {  	[sflag:s29] =	ssyncset.done $0x0  }
0xa1: {  	[sflag:s29] =	ssyncadd.s32 $0xFFFFF000  }
0xa2: {  	_ =	swait.ge [sflag:s29], $0x1000  }
0xa3: {  	[sflag:s29] =	ssyncset.done $0x0  }
0xa4: {  	[sflag:s29] =	ssyncadd.s32 $0xFFFFF000  }
0xa5: {  	_ =	swait.ge [sflag:s29], $0x1000  }
0xa6: {  	[sflag:s29] =	ssyncset.done $0x0  }
0xa7: {  	[sflag:s29] =	ssyncadd.s32 $0xFFFFF000  }
0xa8: {  	_ =	swait.ge [sflag:s29], $0x1000  }
0xa9: {  	[sflag:s29] =	ssyncset.done $0x0  }
0xaa: {  	[sflag:s29] =	ssyncadd.s32 $0xFFFFF000  }
0xab: {  	_ =	swait.ge [sflag:s29], $0x1000  }
0xac: {  	[sflag:s29] =	ssyncset.done $0x0  }
0xad: {  	[sflag:s29] =	ssyncadd.s32 $0xFFFFF000  }
0xae: {  	_ =	swait.ge [sflag:s29], $0x1000  }
0xaf: {  	[sflag:s29] =	ssyncset.done $0x0  }
0xb0: {  	[sflag:s29] =	ssyncadd.s32 $0xFFFFF000  }
0xb1: {  	_ =	swait.ge [sflag:s29], $0x1000  }
0xb2: {  	[sflag:s29] =	ssyncset.done $0x0  }
0xb3: {  	[sflag:s29] =	ssyncadd.s32 $0xFFFFF000  }
0xb4: {  	_ =	swait.ge [sflag:s29], $0x1000  }
0xb5: {  	[sflag:s29] =	ssyncset.done $0x0  }
0xb6: {  	s2 =	simm.s32 $0x40;
	[sflag:s29] =	ssyncadd.s32 $0xFFFFF000  }
.LBB2_7:
0xb7: {  	v9 =	vld [tilespmem:s2+$0xFFFFFFC0];
	_ =	sdelay $0x4  }
0xb8: {  	v9 =	vshll.u32 v9, $0xC  }
0xb9: {  	v9 =	vadd.s32 s0, v9  }
0xba: {  	v9 =	vor.u32 v1, v9;
	_ =	sdelay $0x4  }
0xbb: {  	[tilespmem:v9+s9+$0x0] =	vst.idx.msk $0xffff, v0  }
0xbc: {  	v9 =	vld [tilespmem:s2+$0xFFFFFFD0];
	_ =	sdelay $0x1  }
0xbd: {  	v10 =	vmov s0  }
0xbe: {  	v10 =	vand.u32 $0xF80, v10  }
0xbf: {  	v10 =	vbroadcast v10, $0x0  }
0xc0: {  	v9 =	vshll.u32 v9, $0xC  }
0xc1: {  	v9 =	vor.u32 v10, v9  }
0xc2: {  	v9 =	vor.u32 v3, v9;
	_ =	sdelay $0x4  }
0xc3: {  	[tilespmem:v9+s9+$0x0] =	vst.idx.msk $0xffff, v0  }
0xc4: {  	v9 =	vld [tilespmem:s2+$0xFFFFFFE0];
	_ =	sdelay $0x4  }
0xc5: {  	v9 =	vshll.u32 v9, $0xC  }
0xc6: {  	v9 =	vor.u32 v10, v9  }
0xc7: {  	v9 =	vor.u32 v4, v9;
	_ =	sdelay $0x4  }
0xc8: {  	[tilespmem:v9+s9+$0x0] =	vst.idx.msk $0xffff, v0  }
0xc9: {  	v9 =	vld [tilespmem:s2+$0xFFFFFFF0];
	_ =	sdelay $0x4  }
0xca: {  	v9 =	vshll.u32 v9, $0xC  }
0xcb: {  	v9 =	vor.u32 v10, v9  }
0xcc: {  	v9 =	vor.u32 v5, v9;
	_ =	sdelay $0x4  }
0xcd: {  	[tilespmem:v9+s9+$0x0] =	vst.idx.msk $0xffff, v0  }
0xce: {  	v9 =	vld [tilespmem:s2+$0x0];
	_ =	sdelay $0x4  }
0xcf: {  	v9 =	vshll.u32 v9, $0xC  }
0xd0: {  	v9 =	vor.u32 v10, v9  }
0xd1: {  	v9 =	vor.u32 v6, v9;
	_ =	sdelay $0x4  }
0xd2: {  	[tilespmem:v9+s9+$0x0] =	vst.idx.msk $0xffff, v0  }
0xd3: {  	v9 =	vld [tilespmem:s2+$0x10];
	_ =	sdelay $0x4  }
0xd4: {  	v9 =	vshll.u32 v9, $0xC  }
0xd5: {  	v9 =	vor.u32 v10, v9  }
0xd6: {  	v9 =	vor.u32 v7, v9;
	_ =	sdelay $0x4  }
0xd7: {  	[tilespmem:v9+s9+$0x0] =	vst.idx.msk $0xffff, v0  }
0xd8: {  	v9 =	vld [tilespmem:s2+$0x20];
	_ =	sdelay $0x4  }
0xd9: {  	v9 =	vshll.u32 v9, $0xC  }
0xda: {  	v9 =	vor.u32 v10, v9  }
0xdb: {  	v9 =	vor.u32 v8, v9;
	_ =	sdelay $0x4  }
0xdc: {  	[tilespmem:v9+s9+$0x0] =	vst.idx.msk $0xffff, v0  }
0xdd: {  	v9 =	vld [tilespmem:s2+$0x30];
	_ =	sdelay $0x4  }
0xde: {  	s3 =	sadd.s32 $0x70, s0;
	v9 =	vshll.u32 v9, $0xC  }
0xdf: {  	v9 =	vadd.s32 s3, v9  }
0xe0: {  	p0 =	sne.s32 s0, $0xF80;
	v9 =	vadd.s32 v1, v9  }
.Ltmp2:
0xe1: {  	_ = 	snop;
	(pc) =	sbr.rel @p0 .LBB2_7-.Ltmp2, $2  }
0xe2: {  	_ =	sdelay $0x2  }
0xe3: {  	s0 =	sadd.s32 $0x80, s0;
	s2 =	sadd.s32 $0x80, s2;
	[tilespmem:v9+s9+$0x0] =	vst.idx.msk $0xffff, v0  }
0xe4: {  	s31 =	sadd.s32 $0x1, s31  }
0xe5: {  	p0 =	sne.s32 s31, $0x10  }
.Ltmp3:
0xe6: {  	_ = 	snop;
	(pc) =	sbr.rel @p0 .LBB2_4-.Ltmp3, $1  }
0xe7: {  	_ =	sdelay $0x3  }
0xe8: {  	s30 =	rddreg [dreg:$0x3]  }
0xe9: {  	s0 =	rddreg [dreg:$0x4];
	s30 =	sadd.s32 $0x1, s30  }
0xea: {  	p0 =	sne.s32 s30, s0  }
.Ltmp4:
0xeb: {  	_ = 	snop;
	(pc) =	sbr.rel @p0 .LBB2_1-.Ltmp4, $1  }
0xec: {  	_ =	sdelay $0x3  }
0xed: {  	_ =	sfence.sel $0x180000  }
0xee: {  	[bflag:$0x0] =	sbarrier.arrive $0xFFFF  }
0xef: {  	_ =	strace $0x90000047  }
0xf0: {  	s0 =	stileid.u32;
	[bflag:$0x2] =	sbarrier.arrive $0xFFFF  }
0xf1: {  	p0 =	sne.s32 s0, $0x0;
	s0 =	rddreg [dreg:$0x2]  }
0xf2: {  	s0 =	sadd.s32 @!p0 $0x100000, s0  }
0xf3: {  	[sflag:s0] =	ssyncadd.tile.s32 @!p0 $0x1;
	_ =	shalt  }
.Lfunc_end2:
_tile_overlayer_lowered:
.L_overlay_start_2:
0xf4: {  	(tag) =	ssettag $0x2  }
0xf5: {  	s0 =	rddreg [dreg:$0x0];
	s2 =	stileid.u32  }
0xf6: {  	s1 =	rddreg [dreg:$0x1];
	p0 =	sne.s32 s2, $0x0  }
0xf7: {  	s3 =	rddreg [dreg:$0x2];
	[bflag:$0x3] =	sbarrier.arrive $0xFFFF;
	s2 =	simm.s32 @!p0 $0x1C02  }
0xf8: {  	[timem:s3], [sflag:s2] =	dma.local @!p0 [hbm:s0], s1  }
0xf9: {  	s0 =	simm.s32 @!p0 $0x2  }
0xfa: {  	_ =	swait.ge @!p0 [sflag:s0], s1  }
0xfb: {  	s1 =	ssub.s32 @!p0 $0x0, s1;
	[sflag:s0] =	ssyncset.done @!p0 $0x0  }
0xfc: {  	[sflag:s0] =	ssyncadd.s32 @!p0 s1  }
0xfd: {  	[bflag:$0x3] =	sbarrier.arrive $0xFFFF  }
0xfe: {  	_ =	shalt  }

</sc_bundles>
